<compile_context>
chip_gen: v7x
topology: tpu7x:2x2x1
jax: 0.10.2.dev20260603
libtpu: 0.0.44.dev20260713+nightly
codegen_flags: <defaults>
</compile_context>

<pallas_src>
import functools

import jax
import jax.numpy as jnp
from jax import lax
from jax.experimental import pallas as pl
from jax.experimental.pallas import tpu as pltpu
from jax.experimental.pallas import tpu_sc as plsc

_M, _D = 16384, 128
_N = _M * _D // 2
_NC, _NS = 2, 16
_NW = _NC * _NS
_CHUNK = _N // _NW
_ROWS = _CHUNK * 2 // _D

_CSIZES = (16, 32, 32, 48, 48, 32, 32, 16)
_NCHUNK = len(_CSIZES)

_mesh = plsc.VectorSubcoreMesh(core_axis_name="c", subcore_axis_name="s")


@functools.partial(
    pl.kernel,
    out_type=jax.ShapeDtypeStruct((_M, _D), jnp.float32),
    mesh=_mesh,
    scratch_types=[
        pltpu.VMEM((_CHUNK // _D, _D), jnp.float32),
        pltpu.VMEM((_ROWS, _D), jnp.float32),
        pltpu.SemaphoreType.DMA((_NCHUNK,)),
        pltpu.SemaphoreType.DMA,
    ],
    compiler_params=pltpu.CompilerParams(needs_layout_passes=False,
                                         disable_bounds_checks=True),
)
def _extend(x_hbm, out_hbm, xbuf, buf, insem, outsem):
    wid = lax.axis_index("s") * _NC + lax.axis_index("c")
    nrows = _CHUNK // _D
    starts = [sum(_CSIZES[:c]) for c in range(_NCHUNK)]
    xrow0 = wid * nrows
    row0 = wid * _ROWS

    in_copies = [
        pltpu.make_async_copy(
            x_hbm.at[pl.ds(xrow0 + starts[c], _CSIZES[c]), :],
            xbuf.at[pl.ds(starts[c], _CSIZES[c]), :],
            insem.at[c],
        )
        for c in range(_NCHUNK)
    ]
    for cp in in_copies:
        cp.start()

    lanes = lax.iota(jnp.int32, 16)
    odd_cols = [lanes * 2 + 1 + 32 * t for t in range(4)]
    even_cols = [lanes * 2 + 32 * t for t in range(4)]
    nan16 = jnp.full((16,), jnp.nan, jnp.float32)
    one16 = jnp.full((16,), 1, jnp.int32)

    def body(i, row):
        rows = [row, row + one16]
        vals = [xbuf[i, pl.ds(16 * t, 16)] for t in range(8)]
        for t in range(8):
            plsc.store_scatter(buf, [rows[t // 4], odd_cols[t % 4]], vals[t])
        for p in range(2):
            for t in range(4):
                plsc.store_scatter(buf, [rows[p], even_cols[t]], nan16)
        return row + 2 * one16

    out_copies = []
    for c in range(_NCHUNK):
        in_copies[c].wait()
        lax.fori_loop(starts[c], starts[c] + _CSIZES[c], body,
                      jnp.full((16,), 2 * starts[c], jnp.int32))
        cp = pltpu.make_async_copy(
            buf.at[pl.ds(2 * starts[c], 2 * _CSIZES[c]), :],
            out_hbm.at[pl.ds(row0 + 2 * starts[c], 2 * _CSIZES[c]), :],
            outsem,
        )
        cp.start()
        out_copies.append(cp)
    for cp in out_copies:
        cp.wait()


def kernel(x):
    return _extend(x)

# --- scband reference (transcript-rebuilt; emitter-appended) ---
"""Pipeline reference for scband-extend-24421184045770 (READ-ONLY COPY).

The authoritative reference and input builder live on the scoring server;
editing this copy changes nothing except your own understanding.
"""

import jax, jax.numpy as jnp
import numpy as np

M, D = 16384, 128

# The Extend layer's constructor mask: True at even flat positions, False at odd.
# Exactly half the entries are False, so x must contain M*D/2 = 1,048,576 values.
_MASK_NP = (np.arange(M * D).reshape(M, D) % 2 == 0)
_FLAT = _MASK_NP.reshape(-1)
_FALSE_IDX = np.where(~_FLAT)[0]  # positions that receive x values
_TRUE_IDX = np.where(_FLAT)[0]    # positions that receive NaN


def setup_inputs(seed: int = 0) -> dict:
    key = jax.random.key(seed)
    x = jax.random.normal(key, (8192, 128), dtype=jnp.float32)
    return {"x": x}


def reference(x):
    # Faithful translation of Extend.call:
    #   where = ~mask; scatter x.flatten() into positions where mask is False
    #   scatter NaN into positions where mask is True; return their sum.
    # tf.scatter_nd with 2D indices over a 2D shape == flat scatter then reshape.
    # NOTE: original casts to float64; JAX default config is float32-only, so we
    # keep float32 (same math, NaN semantics preserved).
    false_idx = jnp.asarray(_FALSE_IDX)
    true_idx = jnp.asarray(_TRUE_IDX)
    n = M * D
    scatter = jnp.zeros((n,), dtype=jnp.float32).at[false_idx].set(x.reshape(-1))
    x_nan = jnp.full((true_idx.shape[0],), jnp.nan, dtype=jnp.float32)
    scatter_nan = jnp.zeros((n,), dtype=jnp.float32).at[true_idx].set(x_nan)
    return (scatter + scatter_nan).reshape(M, D)

if __name__ == "__main__":
    import jax
    _d = setup_inputs()
    print(jax.jit(kernel)(*tuple(_d.values())))

</pallas_src>

<mosaic_0001>
#map = affine_map<(d0, d1) -> (0, 0)>
module attributes {stable_mosaic.version = 14 : i64} {
  func.func @_extend(%arg0: i32, %arg1: i32, %arg2: memref<8192x128xf32, #tpu.memory_space<hbm>>, %arg3: memref<16384x128xf32, #tpu.memory_space<hbm>>, %arg4: memref<256x128xf32, #tpu.memory_space<vmem>>, %arg5: memref<512x128xf32, #tpu.memory_space<vmem>>, %arg6: memref<8x!tpu.dma_semaphore, #tpu.memory_space<semaphore_mem>>, %arg7: memref<!tpu.dma_semaphore, #tpu.memory_space<semaphore_mem>>) attributes {dimension_semantics = [#tpu.dimension_semantics<core_parallel>, #tpu.dimension_semantics<subcore_parallel>], iteration_bounds = array<i64: 2, 16>, scalar_prefetch = 0 : i64, scratch_operands = 4 : i64, tpu.core_type = #tpu.core_type<sc_vector_subcore>, window_params = [{transform_indices = #map}, {transform_indices = #map}]} {
    %mul3A = arith.constant 2 : i32
    %mul3A_0 = arith.muli %arg1, %mul3A : i32
    %add3A = arith.addi %mul3A_0, %arg0 : i32
    %mul3A_1 = arith.constant 256 : i32
    %mul3A_2 = arith.muli %add3A, %mul3A_1 : i32
    %mul3A_3 = arith.constant 512 : i32
    %mul3A_4 = arith.muli %add3A, %mul3A_3 : i32
    %add3A_5 = arith.constant 0 : i32
    %add3A_6 = arith.addi %mul3A_2, %add3A_5 : i32
    %add3A_7 = arith.constant 16 : i32
    %add3A_8 = arith.addi %mul3A_2, %add3A_7 : i32
    %add3A_9 = arith.constant 48 : i32
    %add3A_10 = arith.addi %mul3A_2, %add3A_9 : i32
    %add3A_11 = arith.constant 80 : i32
    %add3A_12 = arith.addi %mul3A_2, %add3A_11 : i32
    %add3A_13 = arith.constant 128 : i32
    %add3A_14 = arith.addi %mul3A_2, %add3A_13 : i32
    %add3A_15 = arith.constant 176 : i32
    %add3A_16 = arith.addi %mul3A_2, %add3A_15 : i32
    %add3A_17 = arith.constant 208 : i32
    %add3A_18 = arith.addi %mul3A_2, %add3A_17 : i32
    %add3A_19 = arith.constant 240 : i32
    %add3A_20 = arith.addi %mul3A_2, %add3A_19 : i32
    %dma_start3A = arith.constant 0 : i32
    %dma_start3A_21 = arith.constant 0 : i32
    %dma_start3A_22 = arith.constant 0 : i32
    %dma_start3A_23 = tpu.memref_slice %arg4[%dma_start3A_21, %dma_start3A_22] : memref<256x128xf32, #tpu.memory_space<vmem>> -> memref<16x128xf32, #tpu.memory_space<vmem>>
    %dma_start3A_24 = arith.constant 0 : i32
    %dma_start3A_25 = tpu.memref_slice %arg2[%add3A_6, %dma_start3A_24] : memref<8192x128xf32, #tpu.memory_space<hbm>> -> memref<16x128xf32, #tpu.memory_space<hbm>>
    %dma_start3A_26 = tpu.memref_slice %arg6[%dma_start3A] : memref<8x!tpu.dma_semaphore, #tpu.memory_space<semaphore_mem>> -> memref<1x!tpu.dma_semaphore, #tpu.memory_space<semaphore_mem>>
    %dma_start3A_27 = tpu.memref_squeeze %dma_start3A_26 : memref<1x!tpu.dma_semaphore, #tpu.memory_space<semaphore_mem>> -> memref<!tpu.dma_semaphore, #tpu.memory_space<semaphore_mem>>
    %dma_start3A_28 = arith.constant 0 : i32
    %dma_start3A_29 = arith.constant 0 : i32
    %dma_start3A_30 = tpu.memref_slice %arg4[%dma_start3A_28, %dma_start3A_29] : memref<256x128xf32, #tpu.memory_space<vmem>> -> memref<16x128xf32, #tpu.memory_space<vmem>>
    %dma_start3A_31 = arith.constant 0 : i32
    %dma_start3A_32 = tpu.memref_slice %arg2[%add3A_6, %dma_start3A_31] : memref<8192x128xf32, #tpu.memory_space<hbm>> -> memref<16x128xf32, #tpu.memory_space<hbm>>
    tpu.enqueue_dma source(%dma_start3A_32 : memref<16x128xf32, #tpu.memory_space<hbm>>) target(%dma_start3A_30 : memref<16x128xf32, #tpu.memory_space<vmem>>) target_semaphore(%dma_start3A_27 : memref<!tpu.dma_semaphore, #tpu.memory_space<semaphore_mem>>)
    %dma_start3A_33 = arith.constant 1 : i32
    %dma_start3A_34 = arith.constant 16 : i32
    %dma_start3A_35 = arith.constant 0 : i32
    %dma_start3A_36 = tpu.memref_slice %arg4[%dma_start3A_34, %dma_start3A_35] : memref<256x128xf32, #tpu.memory_space<vmem>> -> memref<32x128xf32, #tpu.memory_space<vmem>>
    %dma_start3A_37 = arith.constant 0 : i32
    %dma_start3A_38 = tpu.memref_slice %arg2[%add3A_8, %dma_start3A_37] : memref<8192x128xf32, #tpu.memory_space<hbm>> -> memref<32x128xf32, #tpu.memory_space<hbm>>
    %dma_start3A_39 = tpu.memref_slice %arg6[%dma_start3A_33] : memref<8x!tpu.dma_semaphore, #tpu.memory_space<semaphore_mem>> -> memref<1x!tpu.dma_semaphore, #tpu.memory_space<semaphore_mem>>
    %dma_start3A_40 = tpu.memref_squeeze %dma_start3A_39 : memref<1x!tpu.dma_semaphore, #tpu.memory_space<semaphore_mem>> -> memref<!tpu.dma_semaphore, #tpu.memory_space<semaphore_mem>>
    %dma_start3A_41 = arith.constant 16 : i32
    %dma_start3A_42 = arith.constant 0 : i32
    %dma_start3A_43 = tpu.memref_slice %arg4[%dma_start3A_41, %dma_start3A_42] : memref<256x128xf32, #tpu.memory_space<vmem>> -> memref<32x128xf32, #tpu.memory_space<vmem>>
    %dma_start3A_44 = arith.constant 0 : i32
    %dma_start3A_45 = tpu.memref_slice %arg2[%add3A_8, %dma_start3A_44] : memref<8192x128xf32, #tpu.memory_space<hbm>> -> memref<32x128xf32, #tpu.memory_space<hbm>>
    tpu.enqueue_dma source(%dma_start3A_45 : memref<32x128xf32, #tpu.memory_space<hbm>>) target(%dma_start3A_43 : memref<32x128xf32, #tpu.memory_space<vmem>>) target_semaphore(%dma_start3A_40 : memref<!tpu.dma_semaphore, #tpu.memory_space<semaphore_mem>>)
    %dma_start3A_46 = arith.constant 2 : i32
    %dma_start3A_47 = arith.constant 48 : i32
    %dma_start3A_48 = arith.constant 0 : i32
    %dma_start3A_49 = tpu.memref_slice %arg4[%dma_start3A_47, %dma_start3A_48] : memref<256x128xf32, #tpu.memory_space<vmem>> -> memref<32x128xf32, #tpu.memory_space<vmem>>
    %dma_start3A_50 = arith.constant 0 : i32
    %dma_start3A_51 = tpu.memref_slice %arg2[%add3A_10, %dma_start3A_50] : memref<8192x128xf32, #tpu.memory_space<hbm>> -> memref<32x128xf32, #tpu.memory_space<hbm>>
    %dma_start3A_52 = tpu.memref_slice %arg6[%dma_start3A_46] : memref<8x!tpu.dma_semaphore, #tpu.memory_space<semaphore_mem>> -> memref<1x!tpu.dma_semaphore, #tpu.memory_space<semaphore_mem>>
    %dma_start3A_53 = tpu.memref_squeeze %dma_start3A_52 : memref<1x!tpu.dma_semaphore, #tpu.memory_space<semaphore_mem>> -> memref<!tpu.dma_semaphore, #tpu.memory_space<semaphore_mem>>
    %dma_start3A_54 = arith.constant 48 : i32
    %dma_start3A_55 = arith.constant 0 : i32
    %dma_start3A_56 = tpu.memref_slice %arg4[%dma_start3A_54, %dma_start3A_55] : memref<256x128xf32, #tpu.memory_space<vmem>> -> memref<32x128xf32, #tpu.memory_space<vmem>>
    %dma_start3A_57 = arith.constant 0 : i32
    %dma_start3A_58 = tpu.memref_slice %arg2[%add3A_10, %dma_start3A_57] : memref<8192x128xf32, #tpu.memory_space<hbm>> -> memref<32x128xf32, #tpu.memory_space<hbm>>
    tpu.enqueue_dma source(%dma_start3A_58 : memref<32x128xf32, #tpu.memory_space<hbm>>) target(%dma_start3A_56 : memref<32x128xf32, #tpu.memory_space<vmem>>) target_semaphore(%dma_start3A_53 : memref<!tpu.dma_semaphore, #tpu.memory_space<semaphore_mem>>)
    %dma_start3A_59 = arith.constant 3 : i32
    %dma_start3A_60 = arith.constant 80 : i32
    %dma_start3A_61 = arith.constant 0 : i32
    %dma_start3A_62 = tpu.memref_slice %arg4[%dma_start3A_60, %dma_start3A_61] : memref<256x128xf32, #tpu.memory_space<vmem>> -> memref<48x128xf32, #tpu.memory_space<vmem>>
    %dma_start3A_63 = arith.constant 0 : i32
    %dma_start3A_64 = tpu.memref_slice %arg2[%add3A_12, %dma_start3A_63] : memref<8192x128xf32, #tpu.memory_space<hbm>> -> memref<48x128xf32, #tpu.memory_space<hbm>>
    %dma_start3A_65 = tpu.memref_slice %arg6[%dma_start3A_59] : memref<8x!tpu.dma_semaphore, #tpu.memory_space<semaphore_mem>> -> memref<1x!tpu.dma_semaphore, #tpu.memory_space<semaphore_mem>>
    %dma_start3A_66 = tpu.memref_squeeze %dma_start3A_65 : memref<1x!tpu.dma_semaphore, #tpu.memory_space<semaphore_mem>> -> memref<!tpu.dma_semaphore, #tpu.memory_space<semaphore_mem>>
    %dma_start3A_67 = arith.constant 80 : i32
    %dma_start3A_68 = arith.constant 0 : i32
    %dma_start3A_69 = tpu.memref_slice %arg4[%dma_start3A_67, %dma_start3A_68] : memref<256x128xf32, #tpu.memory_space<vmem>> -> memref<48x128xf32, #tpu.memory_space<vmem>>
    %dma_start3A_70 = arith.constant 0 : i32
    %dma_start3A_71 = tpu.memref_slice %arg2[%add3A_12, %dma_start3A_70] : memref<8192x128xf32, #tpu.memory_space<hbm>> -> memref<48x128xf32, #tpu.memory_space<hbm>>
    tpu.enqueue_dma source(%dma_start3A_71 : memref<48x128xf32, #tpu.memory_space<hbm>>) target(%dma_start3A_69 : memref<48x128xf32, #tpu.memory_space<vmem>>) target_semaphore(%dma_start3A_66 : memref<!tpu.dma_semaphore, #tpu.memory_space<semaphore_mem>>)
    %dma_start3A_72 = arith.constant 4 : i32
    %dma_start3A_73 = arith.constant 128 : i32
    %dma_start3A_74 = arith.constant 0 : i32
    %dma_start3A_75 = tpu.memref_slice %arg4[%dma_start3A_73, %dma_start3A_74] : memref<256x128xf32, #tpu.memory_space<vmem>> -> memref<48x128xf32, #tpu.memory_space<vmem>>
    %dma_start3A_76 = arith.constant 0 : i32
    %dma_start3A_77 = tpu.memref_slice %arg2[%add3A_14, %dma_start3A_76] : memref<8192x128xf32, #tpu.memory_space<hbm>> -> memref<48x128xf32, #tpu.memory_space<hbm>>
    %dma_start3A_78 = tpu.memref_slice %arg6[%dma_start3A_72] : memref<8x!tpu.dma_semaphore, #tpu.memory_space<semaphore_mem>> -> memref<1x!tpu.dma_semaphore, #tpu.memory_space<semaphore_mem>>
    %dma_start3A_79 = tpu.memref_squeeze %dma_start3A_78 : memref<1x!tpu.dma_semaphore, #tpu.memory_space<semaphore_mem>> -> memref<!tpu.dma_semaphore, #tpu.memory_space<semaphore_mem>>
    %dma_start3A_80 = arith.constant 128 : i32
    %dma_start3A_81 = arith.constant 0 : i32
    %dma_start3A_82 = tpu.memref_slice %arg4[%dma_start3A_80, %dma_start3A_81] : memref<256x128xf32, #tpu.memory_space<vmem>> -> memref<48x128xf32, #tpu.memory_space<vmem>>
    %dma_start3A_83 = arith.constant 0 : i32
    %dma_start3A_84 = tpu.memref_slice %arg2[%add3A_14, %dma_start3A_83] : memref<8192x128xf32, #tpu.memory_space<hbm>> -> memref<48x128xf32, #tpu.memory_space<hbm>>
    tpu.enqueue_dma source(%dma_start3A_84 : memref<48x128xf32, #tpu.memory_space<hbm>>) target(%dma_start3A_82 : memref<48x128xf32, #tpu.memory_space<vmem>>) target_semaphore(%dma_start3A_79 : memref<!tpu.dma_semaphore, #tpu.memory_space<semaphore_mem>>)
    %dma_start3A_85 = arith.constant 5 : i32
    %dma_start3A_86 = arith.constant 176 : i32
    %dma_start3A_87 = arith.constant 0 : i32
    %dma_start3A_88 = tpu.memref_slice %arg4[%dma_start3A_86, %dma_start3A_87] : memref<256x128xf32, #tpu.memory_space<vmem>> -> memref<32x128xf32, #tpu.memory_space<vmem>>
    %dma_start3A_89 = arith.constant 0 : i32
    %dma_start3A_90 = tpu.memref_slice %arg2[%add3A_16, %dma_start3A_89] : memref<8192x128xf32, #tpu.memory_space<hbm>> -> memref<32x128xf32, #tpu.memory_space<hbm>>
    %dma_start3A_91 = tpu.memref_slice %arg6[%dma_start3A_85] : memref<8x!tpu.dma_semaphore, #tpu.memory_space<semaphore_mem>> -> memref<1x!tpu.dma_semaphore, #tpu.memory_space<semaphore_mem>>
    %dma_start3A_92 = tpu.memref_squeeze %dma_start3A_91 : memref<1x!tpu.dma_semaphore, #tpu.memory_space<semaphore_mem>> -> memref<!tpu.dma_semaphore, #tpu.memory_space<semaphore_mem>>
    %dma_start3A_93 = arith.constant 176 : i32
    %dma_start3A_94 = arith.constant 0 : i32
    %dma_start3A_95 = tpu.memref_slice %arg4[%dma_start3A_93, %dma_start3A_94] : memref<256x128xf32, #tpu.memory_space<vmem>> -> memref<32x128xf32, #tpu.memory_space<vmem>>
    %dma_start3A_96 = arith.constant 0 : i32
    %dma_start3A_97 = tpu.memref_slice %arg2[%add3A_16, %dma_start3A_96] : memref<8192x128xf32, #tpu.memory_space<hbm>> -> memref<32x128xf32, #tpu.memory_space<hbm>>
    tpu.enqueue_dma source(%dma_start3A_97 : memref<32x128xf32, #tpu.memory_space<hbm>>) target(%dma_start3A_95 : memref<32x128xf32, #tpu.memory_space<vmem>>) target_semaphore(%dma_start3A_92 : memref<!tpu.dma_semaphore, #tpu.memory_space<semaphore_mem>>)
    %dma_start3A_98 = arith.constant 6 : i32
    %dma_start3A_99 = arith.constant 208 : i32
    %dma_start3A_100 = arith.constant 0 : i32
    %dma_start3A_101 = tpu.memref_slice %arg4[%dma_start3A_99, %dma_start3A_100] : memref<256x128xf32, #tpu.memory_space<vmem>> -> memref<32x128xf32, #tpu.memory_space<vmem>>
    %dma_start3A_102 = arith.constant 0 : i32
    %dma_start3A_103 = tpu.memref_slice %arg2[%add3A_18, %dma_start3A_102] : memref<8192x128xf32, #tpu.memory_space<hbm>> -> memref<32x128xf32, #tpu.memory_space<hbm>>
    %dma_start3A_104 = tpu.memref_slice %arg6[%dma_start3A_98] : memref<8x!tpu.dma_semaphore, #tpu.memory_space<semaphore_mem>> -> memref<1x!tpu.dma_semaphore, #tpu.memory_space<semaphore_mem>>
    %dma_start3A_105 = tpu.memref_squeeze %dma_start3A_104 : memref<1x!tpu.dma_semaphore, #tpu.memory_space<semaphore_mem>> -> memref<!tpu.dma_semaphore, #tpu.memory_space<semaphore_mem>>
    %dma_start3A_106 = arith.constant 208 : i32
    %dma_start3A_107 = arith.constant 0 : i32
    %dma_start3A_108 = tpu.memref_slice %arg4[%dma_start3A_106, %dma_start3A_107] : memref<256x128xf32, #tpu.memory_space<vmem>> -> memref<32x128xf32, #tpu.memory_space<vmem>>
    %dma_start3A_109 = arith.constant 0 : i32
    %dma_start3A_110 = tpu.memref_slice %arg2[%add3A_18, %dma_start3A_109] : memref<8192x128xf32, #tpu.memory_space<hbm>> -> memref<32x128xf32, #tpu.memory_space<hbm>>
    tpu.enqueue_dma source(%dma_start3A_110 : memref<32x128xf32, #tpu.memory_space<hbm>>) target(%dma_start3A_108 : memref<32x128xf32, #tpu.memory_space<vmem>>) target_semaphore(%dma_start3A_105 : memref<!tpu.dma_semaphore, #tpu.memory_space<semaphore_mem>>)
    %dma_start3A_111 = arith.constant 7 : i32
    %dma_start3A_112 = arith.constant 240 : i32
    %dma_start3A_113 = arith.constant 0 : i32
    %dma_start3A_114 = tpu.memref_slice %arg4[%dma_start3A_112, %dma_start3A_113] : memref<256x128xf32, #tpu.memory_space<vmem>> -> memref<16x128xf32, #tpu.memory_space<vmem>>
    %dma_start3A_115 = arith.constant 0 : i32
    %dma_start3A_116 = tpu.memref_slice %arg2[%add3A_20, %dma_start3A_115] : memref<8192x128xf32, #tpu.memory_space<hbm>> -> memref<16x128xf32, #tpu.memory_space<hbm>>
    %dma_start3A_117 = tpu.memref_slice %arg6[%dma_start3A_111] : memref<8x!tpu.dma_semaphore, #tpu.memory_space<semaphore_mem>> -> memref<1x!tpu.dma_semaphore, #tpu.memory_space<semaphore_mem>>
    %dma_start3A_118 = tpu.memref_squeeze %dma_start3A_117 : memref<1x!tpu.dma_semaphore, #tpu.memory_space<semaphore_mem>> -> memref<!tpu.dma_semaphore, #tpu.memory_space<semaphore_mem>>
    %dma_start3A_119 = arith.constant 240 : i32
    %dma_start3A_120 = arith.constant 0 : i32
    %dma_start3A_121 = tpu.memref_slice %arg4[%dma_start3A_119, %dma_start3A_120] : memref<256x128xf32, #tpu.memory_space<vmem>> -> memref<16x128xf32, #tpu.memory_space<vmem>>
    %dma_start3A_122 = arith.constant 0 : i32
    %dma_start3A_123 = tpu.memref_slice %arg2[%add3A_20, %dma_start3A_122] : memref<8192x128xf32, #tpu.memory_space<hbm>> -> memref<16x128xf32, #tpu.memory_space<hbm>>
    tpu.enqueue_dma source(%dma_start3A_123 : memref<16x128xf32, #tpu.memory_space<hbm>>) target(%dma_start3A_121 : memref<16x128xf32, #tpu.memory_space<vmem>>) target_semaphore(%dma_start3A_118 : memref<!tpu.dma_semaphore, #tpu.memory_space<semaphore_mem>>)
    %iota3A = tpu.iota {dimensions = array<i32: 0>} : vector<16xi32>
    %mul3A_124 = arith.constant 2 : i32
    %mul3A_125 = vector.broadcast %mul3A_124 : i32 to vector<16xi32>
    %mul3A_126 = arith.muli %iota3A, %mul3A_125 : vector<16xi32>
    %add3A_127 = arith.constant 1 : i32
    %add3A_128 = vector.broadcast %add3A_127 : i32 to vector<16xi32>
    %add3A_129 = arith.addi %mul3A_126, %add3A_128 : vector<16xi32>
    %add3A_130 = arith.constant 0 : i32
    %add3A_131 = vector.broadcast %add3A_130 : i32 to vector<16xi32>
    %add3A_132 = arith.addi %add3A_129, %add3A_131 : vector<16xi32>
    %mul3A_133 = arith.constant 2 : i32
    %mul3A_134 = vector.broadcast %mul3A_133 : i32 to vector<16xi32>
    %mul3A_135 = arith.muli %iota3A, %mul3A_134 : vector<16xi32>
    %add3A_136 = arith.constant 1 : i32
    %add3A_137 = vector.broadcast %add3A_136 : i32 to vector<16xi32>
    %add3A_138 = arith.addi %mul3A_135, %add3A_137 : vector<16xi32>
    %add3A_139 = arith.constant 32 : i32
    %add3A_140 = vector.broadcast %add3A_139 : i32 to vector<16xi32>
    %add3A_141 = arith.addi %add3A_138, %add3A_140 : vector<16xi32>
    %mul3A_142 = arith.constant 2 : i32
    %mul3A_143 = vector.broadcast %mul3A_142 : i32 to vector<16xi32>
    %mul3A_144 = arith.muli %iota3A, %mul3A_143 : vector<16xi32>
    %add3A_145 = arith.constant 1 : i32
    %add3A_146 = vector.broadcast %add3A_145 : i32 to vector<16xi32>
    %add3A_147 = arith.addi %mul3A_144, %add3A_146 : vector<16xi32>
    %add3A_148 = arith.constant 64 : i32
    %add3A_149 = vector.broadcast %add3A_148 : i32 to vector<16xi32>
    %add3A_150 = arith.addi %add3A_147, %add3A_149 : vector<16xi32>
    %mul3A_151 = arith.constant 2 : i32
    %mul3A_152 = vector.broadcast %mul3A_151 : i32 to vector<16xi32>
    %mul3A_153 = arith.muli %iota3A, %mul3A_152 : vector<16xi32>
    %add3A_154 = arith.constant 1 : i32
    %add3A_155 = vector.broadcast %add3A_154 : i32 to vector<16xi32>
    %add3A_156 = arith.addi %mul3A_153, %add3A_155 : vector<16xi32>
    %add3A_157 = arith.constant 96 : i32
    %add3A_158 = vector.broadcast %add3A_157 : i32 to vector<16xi32>
    %add3A_159 = arith.addi %add3A_156, %add3A_158 : vector<16xi32>
    %mul3A_160 = arith.constant 2 : i32
    %mul3A_161 = vector.broadcast %mul3A_160 : i32 to vector<16xi32>
    %mul3A_162 = arith.muli %iota3A, %mul3A_161 : vector<16xi32>
    %add3A_163 = arith.constant 0 : i32
    %add3A_164 = vector.broadcast %add3A_163 : i32 to vector<16xi32>
    %add3A_165 = arith.addi %mul3A_162, %add3A_164 : vector<16xi32>
    %mul3A_166 = arith.constant 2 : i32
    %mul3A_167 = vector.broadcast %mul3A_166 : i32 to vector<16xi32>
    %mul3A_168 = arith.muli %iota3A, %mul3A_167 : vector<16xi32>
    %add3A_169 = arith.constant 32 : i32
    %add3A_170 = vector.broadcast %add3A_169 : i32 to vector<16xi32>
    %add3A_171 = arith.addi %mul3A_168, %add3A_170 : vector<16xi32>
    %mul3A_172 = arith.constant 2 : i32
    %mul3A_173 = vector.broadcast %mul3A_172 : i32 to vector<16xi32>
    %mul3A_174 = arith.muli %iota3A, %mul3A_173 : vector<16xi32>
    %add3A_175 = arith.constant 64 : i32
    %add3A_176 = vector.broadcast %add3A_175 : i32 to vector<16xi32>
    %add3A_177 = arith.addi %mul3A_174, %add3A_176 : vector<16xi32>
    %mul3A_178 = arith.constant 2 : i32
    %mul3A_179 = vector.broadcast %mul3A_178 : i32 to vector<16xi32>
    %mul3A_180 = arith.muli %iota3A, %mul3A_179 : vector<16xi32>
    %add3A_181 = arith.constant 96 : i32
    %add3A_182 = vector.broadcast %add3A_181 : i32 to vector<16xi32>
    %add3A_183 = arith.addi %mul3A_180, %add3A_182 : vector<16xi32>
    %broadcast_in_dim3A = arith.constant 0x7FC00000 : f32
    %broadcast_in_dim3A_184 = vector.broadcast %broadcast_in_dim3A : f32 to vector<16xf32>
    %broadcast_in_dim3A_185 = arith.constant 1 : i32
    %broadcast_in_dim3A_186 = vector.broadcast %broadcast_in_dim3A_185 : i32 to vector<16xi32>
    %dma_wait3A = arith.constant 0 : i32
    %dma_wait3A_187 = arith.constant 0 : i32
    %dma_wait3A_188 = arith.constant 0 : i32
    %dma_wait3A_189 = tpu.memref_slice %arg4[%dma_wait3A_187, %dma_wait3A_188] : memref<256x128xf32, #tpu.memory_space<vmem>> -> memref<16x128xf32, #tpu.memory_space<vmem>>
    %dma_wait3A_190 = arith.constant 0 : i32
    %dma_wait3A_191 = tpu.memref_slice %arg2[%add3A_6, %dma_wait3A_190] : memref<8192x128xf32, #tpu.memory_space<hbm>> -> memref<16x128xf32, #tpu.memory_space<hbm>>
    %dma_wait3A_192 = tpu.memref_slice %arg6[%dma_wait3A] : memref<8x!tpu.dma_semaphore, #tpu.memory_space<semaphore_mem>> -> memref<1x!tpu.dma_semaphore, #tpu.memory_space<semaphore_mem>>
    %dma_wait3A_193 = tpu.memref_squeeze %dma_wait3A_192 : memref<1x!tpu.dma_semaphore, #tpu.memory_space<semaphore_mem>> -> memref<!tpu.dma_semaphore, #tpu.memory_space<semaphore_mem>>
    %dma_wait3A_194 = arith.constant 0 : i32
    %dma_wait3A_195 = arith.constant 0 : i32
    %dma_wait3A_196 = tpu.memref_slice %arg4[%dma_wait3A_194, %dma_wait3A_195] : memref<256x128xf32, #tpu.memory_space<vmem>> -> memref<16x128xf32, #tpu.memory_space<vmem>>
    %dma_wait3A_197 = arith.constant 0 : i32
    %dma_wait3A_198 = tpu.memref_slice %arg2[%add3A_6, %dma_wait3A_197] : memref<8192x128xf32, #tpu.memory_space<hbm>> -> memref<16x128xf32, #tpu.memory_space<hbm>>
    tpu.wait_dma2 semaphore(%dma_wait3A_193 : memref<!tpu.dma_semaphore, #tpu.memory_space<semaphore_mem>>) src(%dma_wait3A_198 : memref<16x128xf32, #tpu.memory_space<hbm>>) dst(%dma_wait3A_196 : memref<16x128xf32, #tpu.memory_space<vmem>>)
    %broadcast_in_dim3A_199 = arith.constant 0 : i32
    %broadcast_in_dim3A_200 = vector.broadcast %broadcast_in_dim3A_199 : i32 to vector<16xi32>
    %scan3A = arith.constant 0 : i32
    %scan3A_201 = arith.constant 16 : i32
    %scan3A_202 = arith.addi %scan3A, %scan3A_201 : i32
    %scan3A_203 = arith.constant 1 : i32
    %scan3A_204 = scf.for %scan3A_529 = %scan3A to %scan3A_202 step %scan3A_203 iter_args(%scan3A_530 = %broadcast_in_dim3A_200) -> (vector<16xi32>)  : i32 {
      %add3A_531 = arith.addi %scan3A_530, %broadcast_in_dim3A_186 : vector<16xi32>
      %get3A = arith.index_cast %scan3A_529 : i32 to index
      %get3A_532 = arith.constant 0 : index
      %get3A_533 = tpu.vector_load %arg4[%get3A, %get3A_532] {strides = array<i32>} : memref<256x128xf32, #tpu.memory_space<vmem>>, vector<16xf32>,
      %get3A_534 = arith.index_cast %scan3A_529 : i32 to index
      %get3A_535 = arith.constant 16 : index
      %get3A_536 = tpu.vector_load %arg4[%get3A_534, %get3A_535] {strides = array<i32>} : memref<256x128xf32, #tpu.memory_space<vmem>>, vector<16xf32>,
      %get3A_537 = arith.index_cast %scan3A_529 : i32 to index
      %get3A_538 = arith.constant 32 : index
      %get3A_539 = tpu.vector_load %arg4[%get3A_537, %get3A_538] {strides = array<i32>} : memref<256x128xf32, #tpu.memory_space<vmem>>, vector<16xf32>,
      %get3A_540 = arith.index_cast %scan3A_529 : i32 to index
      %get3A_541 = arith.constant 48 : index
      %get3A_542 = tpu.vector_load %arg4[%get3A_540, %get3A_541] {strides = array<i32>} : memref<256x128xf32, #tpu.memory_space<vmem>>, vector<16xf32>,
      %get3A_543 = arith.index_cast %scan3A_529 : i32 to index
      %get3A_544 = arith.constant 64 : index
      %get3A_545 = tpu.vector_load %arg4[%get3A_543, %get3A_544] {strides = array<i32>} : memref<256x128xf32, #tpu.memory_space<vmem>>, vector<16xf32>,
      %get3A_546 = arith.index_cast %scan3A_529 : i32 to index
      %get3A_547 = arith.constant 80 : index
      %get3A_548 = tpu.vector_load %arg4[%get3A_546, %get3A_547] {strides = array<i32>} : memref<256x128xf32, #tpu.memory_space<vmem>>, vector<16xf32>,
      %get3A_549 = arith.index_cast %scan3A_529 : i32 to index
      %get3A_550 = arith.constant 96 : index
      %get3A_551 = tpu.vector_load %arg4[%get3A_549, %get3A_550] {strides = array<i32>} : memref<256x128xf32, #tpu.memory_space<vmem>>, vector<16xf32>,
      %get3A_552 = arith.index_cast %scan3A_529 : i32 to index
      %get3A_553 = arith.constant 112 : index
      %get3A_554 = tpu.vector_load %arg4[%get3A_552, %get3A_553] {strides = array<i32>} : memref<256x128xf32, #tpu.memory_space<vmem>>, vector<16xf32>,
      tpu.vector_store_idx %arg5[%scan3A_530, %add3A_132], %get3A_533 : memref<512x128xf32, #tpu.memory_space<vmem>>[vector<16xi32>, vector<16xi32>], vector<16xf32>,
      tpu.vector_store_idx %arg5[%scan3A_530, %add3A_141], %get3A_536 : memref<512x128xf32, #tpu.memory_space<vmem>>[vector<16xi32>, vector<16xi32>], vector<16xf32>,
      tpu.vector_store_idx %arg5[%scan3A_530, %add3A_150], %get3A_539 : memref<512x128xf32, #tpu.memory_space<vmem>>[vector<16xi32>, vector<16xi32>], vector<16xf32>,
      tpu.vector_store_idx %arg5[%scan3A_530, %add3A_159], %get3A_542 : memref<512x128xf32, #tpu.memory_space<vmem>>[vector<16xi32>, vector<16xi32>], vector<16xf32>,
      tpu.vector_store_idx %arg5[%add3A_531, %add3A_132], %get3A_545 : memref<512x128xf32, #tpu.memory_space<vmem>>[vector<16xi32>, vector<16xi32>], vector<16xf32>,
      tpu.vector_store_idx %arg5[%add3A_531, %add3A_141], %get3A_548 : memref<512x128xf32, #tpu.memory_space<vmem>>[vector<16xi32>, vector<16xi32>], vector<16xf32>,
      tpu.vector_store_idx %arg5[%add3A_531, %add3A_150], %get3A_551 : memref<512x128xf32, #tpu.memory_space<vmem>>[vector<16xi32>, vector<16xi32>], vector<16xf32>,
      tpu.vector_store_idx %arg5[%add3A_531, %add3A_159], %get3A_554 : memref<512x128xf32, #tpu.memory_space<vmem>>[vector<16xi32>, vector<16xi32>], vector<16xf32>,
      tpu.vector_store_idx %arg5[%scan3A_530, %add3A_165], %broadcast_in_dim3A_184 : memref<512x128xf32, #tpu.memory_space<vmem>>[vector<16xi32>, vector<16xi32>], vector<16xf32>,
      tpu.vector_store_idx %arg5[%scan3A_530, %add3A_171], %broadcast_in_dim3A_184 : memref<512x128xf32, #tpu.memory_space<vmem>>[vector<16xi32>, vector<16xi32>], vector<16xf32>,
      tpu.vector_store_idx %arg5[%scan3A_530, %add3A_177], %broadcast_in_dim3A_184 : memref<512x128xf32, #tpu.memory_space<vmem>>[vector<16xi32>, vector<16xi32>], vector<16xf32>,
      tpu.vector_store_idx %arg5[%scan3A_530, %add3A_183], %broadcast_in_dim3A_184 : memref<512x128xf32, #tpu.memory_space<vmem>>[vector<16xi32>, vector<16xi32>], vector<16xf32>,
      tpu.vector_store_idx %arg5[%add3A_531, %add3A_165], %broadcast_in_dim3A_184 : memref<512x128xf32, #tpu.memory_space<vmem>>[vector<16xi32>, vector<16xi32>], vector<16xf32>,
      tpu.vector_store_idx %arg5[%add3A_531, %add3A_171], %broadcast_in_dim3A_184 : memref<512x128xf32, #tpu.memory_space<vmem>>[vector<16xi32>, vector<16xi32>], vector<16xf32>,
      tpu.vector_store_idx %arg5[%add3A_531, %add3A_177], %broadcast_in_dim3A_184 : memref<512x128xf32, #tpu.memory_space<vmem>>[vector<16xi32>, vector<16xi32>], vector<16xf32>,
      tpu.vector_store_idx %arg5[%add3A_531, %add3A_183], %broadcast_in_dim3A_184 : memref<512x128xf32, #tpu.memory_space<vmem>>[vector<16xi32>, vector<16xi32>], vector<16xf32>,
      %mul3A_555 = arith.constant 2 : i32
      %mul3A_556 = vector.broadcast %mul3A_555 : i32 to vector<16xi32>
      %mul3A_557 = arith.muli %mul3A_556, %broadcast_in_dim3A_186 : vector<16xi32>
      %add3A_558 = arith.addi %scan3A_530, %mul3A_557 : vector<16xi32>
      scf.yield %add3A_558 : vector<16xi32>
    }
    %scan3A_205 = arith.constant 16 : i32
    %add3A_206 = arith.constant 0 : i32
    %add3A_207 = arith.addi %mul3A_4, %add3A_206 : i32
    %dma_start3A_208 = arith.constant 0 : i32
    %dma_start3A_209 = arith.constant 0 : i32
    %dma_start3A_210 = tpu.memref_slice %arg5[%dma_start3A_208, %dma_start3A_209] : memref<512x128xf32, #tpu.memory_space<vmem>> -> memref<32x128xf32, #tpu.memory_space<vmem>>
    %dma_start3A_211 = arith.constant 0 : i32
    %dma_start3A_212 = tpu.memref_slice %arg3[%add3A_207, %dma_start3A_211] : memref<16384x128xf32, #tpu.memory_space<hbm>> -> memref<32x128xf32, #tpu.memory_space<hbm>>
    %dma_start3A_213 = arith.constant 0 : i32
    %dma_start3A_214 = tpu.memref_slice %arg3[%add3A_207, %dma_start3A_213] : memref<16384x128xf32, #tpu.memory_space<hbm>> -> memref<32x128xf32, #tpu.memory_space<hbm>>
    %dma_start3A_215 = arith.constant 0 : i32
    %dma_start3A_216 = arith.constant 0 : i32
    %dma_start3A_217 = tpu.memref_slice %arg5[%dma_start3A_215, %dma_start3A_216] : memref<512x128xf32, #tpu.memory_space<vmem>> -> memref<32x128xf32, #tpu.memory_space<vmem>>
    tpu.enqueue_dma source(%dma_start3A_217 : memref<32x128xf32, #tpu.memory_space<vmem>>) target(%dma_start3A_214 : memref<32x128xf32, #tpu.memory_space<hbm>>) target_semaphore(%arg7 : memref<!tpu.dma_semaphore, #tpu.memory_space<semaphore_mem>>)
    %dma_wait3A_218 = arith.constant 1 : i32
    %dma_wait3A_219 = arith.constant 16 : i32
    %dma_wait3A_220 = arith.constant 0 : i32
    %dma_wait3A_221 = tpu.memref_slice %arg4[%dma_wait3A_219, %dma_wait3A_220] : memref<256x128xf32, #tpu.memory_space<vmem>> -> memref<32x128xf32, #tpu.memory_space<vmem>>
    %dma_wait3A_222 = arith.constant 0 : i32
    %dma_wait3A_223 = tpu.memref_slice %arg2[%add3A_8, %dma_wait3A_222] : memref<8192x128xf32, #tpu.memory_space<hbm>> -> memref<32x128xf32, #tpu.memory_space<hbm>>
    %dma_wait3A_224 = tpu.memref_slice %arg6[%dma_wait3A_218] : memref<8x!tpu.dma_semaphore, #tpu.memory_space<semaphore_mem>> -> memref<1x!tpu.dma_semaphore, #tpu.memory_space<semaphore_mem>>
    %dma_wait3A_225 = tpu.memref_squeeze %dma_wait3A_224 : memref<1x!tpu.dma_semaphore, #tpu.memory_space<semaphore_mem>> -> memref<!tpu.dma_semaphore, #tpu.memory_space<semaphore_mem>>
    %dma_wait3A_226 = arith.constant 16 : i32
    %dma_wait3A_227 = arith.constant 0 : i32
    %dma_wait3A_228 = tpu.memref_slice %arg4[%dma_wait3A_226, %dma_wait3A_227] : memref<256x128xf32, #tpu.memory_space<vmem>> -> memref<32x128xf32, #tpu.memory_space<vmem>>
    %dma_wait3A_229 = arith.constant 0 : i32
    %dma_wait3A_230 = tpu.memref_slice %arg2[%add3A_8, %dma_wait3A_229] : memref<8192x128xf32, #tpu.memory_space<hbm>> -> memref<32x128xf32, #tpu.memory_space<hbm>>
    tpu.wait_dma2 semaphore(%dma_wait3A_225 : memref<!tpu.dma_semaphore, #tpu.memory_space<semaphore_mem>>) src(%dma_wait3A_230 : memref<32x128xf32, #tpu.memory_space<hbm>>) dst(%dma_wait3A_228 : memref<32x128xf32, #tpu.memory_space<vmem>>)
    %broadcast_in_dim3A_231 = arith.constant 32 : i32
    %broadcast_in_dim3A_232 = vector.broadcast %broadcast_in_dim3A_231 : i32 to vector<16xi32>
    %scan3A_233 = arith.constant 16 : i32
    %scan3A_234 = arith.constant 32 : i32
    %scan3A_235 = arith.addi %scan3A_233, %scan3A_234 : i32
    %scan3A_236 = arith.constant 1 : i32
    %scan3A_237 = scf.for %scan3A_529 = %scan3A_233 to %scan3A_235 step %scan3A_236 iter_args(%scan3A_530 = %broadcast_in_dim3A_232) -> (vector<16xi32>)  : i32 {
      %add3A_531 = arith.addi %scan3A_530, %broadcast_in_dim3A_186 : vector<16xi32>
      %get3A = arith.index_cast %scan3A_529 : i32 to index
      %get3A_532 = arith.constant 0 : index
      %get3A_533 = tpu.vector_load %arg4[%get3A, %get3A_532] {strides = array<i32>} : memref<256x128xf32, #tpu.memory_space<vmem>>, vector<16xf32>,
      %get3A_534 = arith.index_cast %scan3A_529 : i32 to index
      %get3A_535 = arith.constant 16 : index
      %get3A_536 = tpu.vector_load %arg4[%get3A_534, %get3A_535] {strides = array<i32>} : memref<256x128xf32, #tpu.memory_space<vmem>>, vector<16xf32>,
      %get3A_537 = arith.index_cast %scan3A_529 : i32 to index
      %get3A_538 = arith.constant 32 : index
      %get3A_539 = tpu.vector_load %arg4[%get3A_537, %get3A_538] {strides = array<i32>} : memref<256x128xf32, #tpu.memory_space<vmem>>, vector<16xf32>,
      %get3A_540 = arith.index_cast %scan3A_529 : i32 to index
      %get3A_541 = arith.constant 48 : index
      %get3A_542 = tpu.vector_load %arg4[%get3A_540, %get3A_541] {strides = array<i32>} : memref<256x128xf32, #tpu.memory_space<vmem>>, vector<16xf32>,
      %get3A_543 = arith.index_cast %scan3A_529 : i32 to index
      %get3A_544 = arith.constant 64 : index
      %get3A_545 = tpu.vector_load %arg4[%get3A_543, %get3A_544] {strides = array<i32>} : memref<256x128xf32, #tpu.memory_space<vmem>>, vector<16xf32>,
      %get3A_546 = arith.index_cast %scan3A_529 : i32 to index
      %get3A_547 = arith.constant 80 : index
      %get3A_548 = tpu.vector_load %arg4[%get3A_546, %get3A_547] {strides = array<i32>} : memref<256x128xf32, #tpu.memory_space<vmem>>, vector<16xf32>,
      %get3A_549 = arith.index_cast %scan3A_529 : i32 to index
      %get3A_550 = arith.constant 96 : index
      %get3A_551 = tpu.vector_load %arg4[%get3A_549, %get3A_550] {strides = array<i32>} : memref<256x128xf32, #tpu.memory_space<vmem>>, vector<16xf32>,
      %get3A_552 = arith.index_cast %scan3A_529 : i32 to index
      %get3A_553 = arith.constant 112 : index
      %get3A_554 = tpu.vector_load %arg4[%get3A_552, %get3A_553] {strides = array<i32>} : memref<256x128xf32, #tpu.memory_space<vmem>>, vector<16xf32>,
      tpu.vector_store_idx %arg5[%scan3A_530, %add3A_132], %get3A_533 : memref<512x128xf32, #tpu.memory_space<vmem>>[vector<16xi32>, vector<16xi32>], vector<16xf32>,
      tpu.vector_store_idx %arg5[%scan3A_530, %add3A_141], %get3A_536 : memref<512x128xf32, #tpu.memory_space<vmem>>[vector<16xi32>, vector<16xi32>], vector<16xf32>,
      tpu.vector_store_idx %arg5[%scan3A_530, %add3A_150], %get3A_539 : memref<512x128xf32, #tpu.memory_space<vmem>>[vector<16xi32>, vector<16xi32>], vector<16xf32>,
      tpu.vector_store_idx %arg5[%scan3A_530, %add3A_159], %get3A_542 : memref<512x128xf32, #tpu.memory_space<vmem>>[vector<16xi32>, vector<16xi32>], vector<16xf32>,
      tpu.vector_store_idx %arg5[%add3A_531, %add3A_132], %get3A_545 : memref<512x128xf32, #tpu.memory_space<vmem>>[vector<16xi32>, vector<16xi32>], vector<16xf32>,
      tpu.vector_store_idx %arg5[%add3A_531, %add3A_141], %get3A_548 : memref<512x128xf32, #tpu.memory_space<vmem>>[vector<16xi32>, vector<16xi32>], vector<16xf32>,
      tpu.vector_store_idx %arg5[%add3A_531, %add3A_150], %get3A_551 : memref<512x128xf32, #tpu.memory_space<vmem>>[vector<16xi32>, vector<16xi32>], vector<16xf32>,
      tpu.vector_store_idx %arg5[%add3A_531, %add3A_159], %get3A_554 : memref<512x128xf32, #tpu.memory_space<vmem>>[vector<16xi32>, vector<16xi32>], vector<16xf32>,
      tpu.vector_store_idx %arg5[%scan3A_530, %add3A_165], %broadcast_in_dim3A_184 : memref<512x128xf32, #tpu.memory_space<vmem>>[vector<16xi32>, vector<16xi32>], vector<16xf32>,
      tpu.vector_store_idx %arg5[%scan3A_530, %add3A_171], %broadcast_in_dim3A_184 : memref<512x128xf32, #tpu.memory_space<vmem>>[vector<16xi32>, vector<16xi32>], vector<16xf32>,
      tpu.vector_store_idx %arg5[%scan3A_530, %add3A_177], %broadcast_in_dim3A_184 : memref<512x128xf32, #tpu.memory_space<vmem>>[vector<16xi32>, vector<16xi32>], vector<16xf32>,
      tpu.vector_store_idx %arg5[%scan3A_530, %add3A_183], %broadcast_in_dim3A_184 : memref<512x128xf32, #tpu.memory_space<vmem>>[vector<16xi32>, vector<16xi32>], vector<16xf32>,
      tpu.vector_store_idx %arg5[%add3A_531, %add3A_165], %broadcast_in_dim3A_184 : memref<512x128xf32, #tpu.memory_space<vmem>>[vector<16xi32>, vector<16xi32>], vector<16xf32>,
      tpu.vector_store_idx %arg5[%add3A_531, %add3A_171], %broadcast_in_dim3A_184 : memref<512x128xf32, #tpu.memory_space<vmem>>[vector<16xi32>, vector<16xi32>], vector<16xf32>,
      tpu.vector_store_idx %arg5[%add3A_531, %add3A_177], %broadcast_in_dim3A_184 : memref<512x128xf32, #tpu.memory_space<vmem>>[vector<16xi32>, vector<16xi32>], vector<16xf32>,
      tpu.vector_store_idx %arg5[%add3A_531, %add3A_183], %broadcast_in_dim3A_184 : memref<512x128xf32, #tpu.memory_space<vmem>>[vector<16xi32>, vector<16xi32>], vector<16xf32>,
      %mul3A_555 = arith.constant 2 : i32
      %mul3A_556 = vector.broadcast %mul3A_555 : i32 to vector<16xi32>
      %mul3A_557 = arith.muli %mul3A_556, %broadcast_in_dim3A_186 : vector<16xi32>
      %add3A_558 = arith.addi %scan3A_530, %mul3A_557 : vector<16xi32>
      scf.yield %add3A_558 : vector<16xi32>
    }
    %scan3A_238 = arith.constant 32 : i32
    %add3A_239 = arith.constant 32 : i32
    %add3A_240 = arith.addi %mul3A_4, %add3A_239 : i32
    %dma_start3A_241 = arith.constant 32 : i32
    %dma_start3A_242 = arith.constant 0 : i32
    %dma_start3A_243 = tpu.memref_slice %arg5[%dma_start3A_241, %dma_start3A_242] : memref<512x128xf32, #tpu.memory_space<vmem>> -> memref<64x128xf32, #tpu.memory_space<vmem>>
    %dma_start3A_244 = arith.constant 0 : i32
    %dma_start3A_245 = tpu.memref_slice %arg3[%add3A_240, %dma_start3A_244] : memref<16384x128xf32, #tpu.memory_space<hbm>> -> memref<64x128xf32, #tpu.memory_space<hbm>>
    %dma_start3A_246 = arith.constant 0 : i32
    %dma_start3A_247 = tpu.memref_slice %arg3[%add3A_240, %dma_start3A_246] : memref<16384x128xf32, #tpu.memory_space<hbm>> -> memref<64x128xf32, #tpu.memory_space<hbm>>
    %dma_start3A_248 = arith.constant 32 : i32
    %dma_start3A_249 = arith.constant 0 : i32
    %dma_start3A_250 = tpu.memref_slice %arg5[%dma_start3A_248, %dma_start3A_249] : memref<512x128xf32, #tpu.memory_space<vmem>> -> memref<64x128xf32, #tpu.memory_space<vmem>>
    tpu.enqueue_dma source(%dma_start3A_250 : memref<64x128xf32, #tpu.memory_space<vmem>>) target(%dma_start3A_247 : memref<64x128xf32, #tpu.memory_space<hbm>>) target_semaphore(%arg7 : memref<!tpu.dma_semaphore, #tpu.memory_space<semaphore_mem>>)
    %dma_wait3A_251 = arith.constant 2 : i32
    %dma_wait3A_252 = arith.constant 48 : i32
    %dma_wait3A_253 = arith.constant 0 : i32
    %dma_wait3A_254 = tpu.memref_slice %arg4[%dma_wait3A_252, %dma_wait3A_253] : memref<256x128xf32, #tpu.memory_space<vmem>> -> memref<32x128xf32, #tpu.memory_space<vmem>>
    %dma_wait3A_255 = arith.constant 0 : i32
    %dma_wait3A_256 = tpu.memref_slice %arg2[%add3A_10, %dma_wait3A_255] : memref<8192x128xf32, #tpu.memory_space<hbm>> -> memref<32x128xf32, #tpu.memory_space<hbm>>
    %dma_wait3A_257 = tpu.memref_slice %arg6[%dma_wait3A_251] : memref<8x!tpu.dma_semaphore, #tpu.memory_space<semaphore_mem>> -> memref<1x!tpu.dma_semaphore, #tpu.memory_space<semaphore_mem>>
    %dma_wait3A_258 = tpu.memref_squeeze %dma_wait3A_257 : memref<1x!tpu.dma_semaphore, #tpu.memory_space<semaphore_mem>> -> memref<!tpu.dma_semaphore, #tpu.memory_space<semaphore_mem>>
    %dma_wait3A_259 = arith.constant 48 : i32
    %dma_wait3A_260 = arith.constant 0 : i32
    %dma_wait3A_261 = tpu.memref_slice %arg4[%dma_wait3A_259, %dma_wait3A_260] : memref<256x128xf32, #tpu.memory_space<vmem>> -> memref<32x128xf32, #tpu.memory_space<vmem>>
    %dma_wait3A_262 = arith.constant 0 : i32
    %dma_wait3A_263 = tpu.memref_slice %arg2[%add3A_10, %dma_wait3A_262] : memref<8192x128xf32, #tpu.memory_space<hbm>> -> memref<32x128xf32, #tpu.memory_space<hbm>>
    tpu.wait_dma2 semaphore(%dma_wait3A_258 : memref<!tpu.dma_semaphore, #tpu.memory_space<semaphore_mem>>) src(%dma_wait3A_263 : memref<32x128xf32, #tpu.memory_space<hbm>>) dst(%dma_wait3A_261 : memref<32x128xf32, #tpu.memory_space<vmem>>)
    %broadcast_in_dim3A_264 = arith.constant 96 : i32
    %broadcast_in_dim3A_265 = vector.broadcast %broadcast_in_dim3A_264 : i32 to vector<16xi32>
    %scan3A_266 = arith.constant 48 : i32
    %scan3A_267 = arith.constant 32 : i32
    %scan3A_268 = arith.addi %scan3A_266, %scan3A_267 : i32
    %scan3A_269 = arith.constant 1 : i32
    %scan3A_270 = scf.for %scan3A_529 = %scan3A_266 to %scan3A_268 step %scan3A_269 iter_args(%scan3A_530 = %broadcast_in_dim3A_265) -> (vector<16xi32>)  : i32 {
      %add3A_531 = arith.addi %scan3A_530, %broadcast_in_dim3A_186 : vector<16xi32>
      %get3A = arith.index_cast %scan3A_529 : i32 to index
      %get3A_532 = arith.constant 0 : index
      %get3A_533 = tpu.vector_load %arg4[%get3A, %get3A_532] {strides = array<i32>} : memref<256x128xf32, #tpu.memory_space<vmem>>, vector<16xf32>,
      %get3A_534 = arith.index_cast %scan3A_529 : i32 to index
      %get3A_535 = arith.constant 16 : index
      %get3A_536 = tpu.vector_load %arg4[%get3A_534, %get3A_535] {strides = array<i32>} : memref<256x128xf32, #tpu.memory_space<vmem>>, vector<16xf32>,
      %get3A_537 = arith.index_cast %scan3A_529 : i32 to index
      %get3A_538 = arith.constant 32 : index
      %get3A_539 = tpu.vector_load %arg4[%get3A_537, %get3A_538] {strides = array<i32>} : memref<256x128xf32, #tpu.memory_space<vmem>>, vector<16xf32>,
      %get3A_540 = arith.index_cast %scan3A_529 : i32 to index
      %get3A_541 = arith.constant 48 : index
      %get3A_542 = tpu.vector_load %arg4[%get3A_540, %get3A_541] {strides = array<i32>} : memref<256x128xf32, #tpu.memory_space<vmem>>, vector<16xf32>,
      %get3A_543 = arith.index_cast %scan3A_529 : i32 to index
      %get3A_544 = arith.constant 64 : index
      %get3A_545 = tpu.vector_load %arg4[%get3A_543, %get3A_544] {strides = array<i32>} : memref<256x128xf32, #tpu.memory_space<vmem>>, vector<16xf32>,
      %get3A_546 = arith.index_cast %scan3A_529 : i32 to index
      %get3A_547 = arith.constant 80 : index
      %get3A_548 = tpu.vector_load %arg4[%get3A_546, %get3A_547] {strides = array<i32>} : memref<256x128xf32, #tpu.memory_space<vmem>>, vector<16xf32>,
      %get3A_549 = arith.index_cast %scan3A_529 : i32 to index
      %get3A_550 = arith.constant 96 : index
      %get3A_551 = tpu.vector_load %arg4[%get3A_549, %get3A_550] {strides = array<i32>} : memref<256x128xf32, #tpu.memory_space<vmem>>, vector<16xf32>,
      %get3A_552 = arith.index_cast %scan3A_529 : i32 to index
      %get3A_553 = arith.constant 112 : index
      %get3A_554 = tpu.vector_load %arg4[%get3A_552, %get3A_553] {strides = array<i32>} : memref<256x128xf32, #tpu.memory_space<vmem>>, vector<16xf32>,
      tpu.vector_store_idx %arg5[%scan3A_530, %add3A_132], %get3A_533 : memref<512x128xf32, #tpu.memory_space<vmem>>[vector<16xi32>, vector<16xi32>], vector<16xf32>,
      tpu.vector_store_idx %arg5[%scan3A_530, %add3A_141], %get3A_536 : memref<512x128xf32, #tpu.memory_space<vmem>>[vector<16xi32>, vector<16xi32>], vector<16xf32>,
      tpu.vector_store_idx %arg5[%scan3A_530, %add3A_150], %get3A_539 : memref<512x128xf32, #tpu.memory_space<vmem>>[vector<16xi32>, vector<16xi32>], vector<16xf32>,
      tpu.vector_store_idx %arg5[%scan3A_530, %add3A_159], %get3A_542 : memref<512x128xf32, #tpu.memory_space<vmem>>[vector<16xi32>, vector<16xi32>], vector<16xf32>,
      tpu.vector_store_idx %arg5[%add3A_531, %add3A_132], %get3A_545 : memref<512x128xf32, #tpu.memory_space<vmem>>[vector<16xi32>, vector<16xi32>], vector<16xf32>,
      tpu.vector_store_idx %arg5[%add3A_531, %add3A_141], %get3A_548 : memref<512x128xf32, #tpu.memory_space<vmem>>[vector<16xi32>, vector<16xi32>], vector<16xf32>,
      tpu.vector_store_idx %arg5[%add3A_531, %add3A_150], %get3A_551 : memref<512x128xf32, #tpu.memory_space<vmem>>[vector<16xi32>, vector<16xi32>], vector<16xf32>,
      tpu.vector_store_idx %arg5[%add3A_531, %add3A_159], %get3A_554 : memref<512x128xf32, #tpu.memory_space<vmem>>[vector<16xi32>, vector<16xi32>], vector<16xf32>,
      tpu.vector_store_idx %arg5[%scan3A_530, %add3A_165], %broadcast_in_dim3A_184 : memref<512x128xf32, #tpu.memory_space<vmem>>[vector<16xi32>, vector<16xi32>], vector<16xf32>,
      tpu.vector_store_idx %arg5[%scan3A_530, %add3A_171], %broadcast_in_dim3A_184 : memref<512x128xf32, #tpu.memory_space<vmem>>[vector<16xi32>, vector<16xi32>], vector<16xf32>,
      tpu.vector_store_idx %arg5[%scan3A_530, %add3A_177], %broadcast_in_dim3A_184 : memref<512x128xf32, #tpu.memory_space<vmem>>[vector<16xi32>, vector<16xi32>], vector<16xf32>,
      tpu.vector_store_idx %arg5[%scan3A_530, %add3A_183], %broadcast_in_dim3A_184 : memref<512x128xf32, #tpu.memory_space<vmem>>[vector<16xi32>, vector<16xi32>], vector<16xf32>,
      tpu.vector_store_idx %arg5[%add3A_531, %add3A_165], %broadcast_in_dim3A_184 : memref<512x128xf32, #tpu.memory_space<vmem>>[vector<16xi32>, vector<16xi32>], vector<16xf32>,
      tpu.vector_store_idx %arg5[%add3A_531, %add3A_171], %broadcast_in_dim3A_184 : memref<512x128xf32, #tpu.memory_space<vmem>>[vector<16xi32>, vector<16xi32>], vector<16xf32>,
      tpu.vector_store_idx %arg5[%add3A_531, %add3A_177], %broadcast_in_dim3A_184 : memref<512x128xf32, #tpu.memory_space<vmem>>[vector<16xi32>, vector<16xi32>], vector<16xf32>,
      tpu.vector_store_idx %arg5[%add3A_531, %add3A_183], %broadcast_in_dim3A_184 : memref<512x128xf32, #tpu.memory_space<vmem>>[vector<16xi32>, vector<16xi32>], vector<16xf32>,
      %mul3A_555 = arith.constant 2 : i32
      %mul3A_556 = vector.broadcast %mul3A_555 : i32 to vector<16xi32>
      %mul3A_557 = arith.muli %mul3A_556, %broadcast_in_dim3A_186 : vector<16xi32>
      %add3A_558 = arith.addi %scan3A_530, %mul3A_557 : vector<16xi32>
      scf.yield %add3A_558 : vector<16xi32>
    }
    %scan3A_271 = arith.constant 32 : i32
    %add3A_272 = arith.constant 96 : i32
    %add3A_273 = arith.addi %mul3A_4, %add3A_272 : i32
    %dma_start3A_274 = arith.constant 96 : i32
    %dma_start3A_275 = arith.constant 0 : i32
    %dma_start3A_276 = tpu.memref_slice %arg5[%dma_start3A_274, %dma_start3A_275] : memref<512x128xf32, #tpu.memory_space<vmem>> -> memref<64x128xf32, #tpu.memory_space<vmem>>
    %dma_start3A_277 = arith.constant 0 : i32
    %dma_start3A_278 = tpu.memref_slice %arg3[%add3A_273, %dma_start3A_277] : memref<16384x128xf32, #tpu.memory_space<hbm>> -> memref<64x128xf32, #tpu.memory_space<hbm>>
    %dma_start3A_279 = arith.constant 0 : i32
    %dma_start3A_280 = tpu.memref_slice %arg3[%add3A_273, %dma_start3A_279] : memref<16384x128xf32, #tpu.memory_space<hbm>> -> memref<64x128xf32, #tpu.memory_space<hbm>>
    %dma_start3A_281 = arith.constant 96 : i32
    %dma_start3A_282 = arith.constant 0 : i32
    %dma_start3A_283 = tpu.memref_slice %arg5[%dma_start3A_281, %dma_start3A_282] : memref<512x128xf32, #tpu.memory_space<vmem>> -> memref<64x128xf32, #tpu.memory_space<vmem>>
    tpu.enqueue_dma source(%dma_start3A_283 : memref<64x128xf32, #tpu.memory_space<vmem>>) target(%dma_start3A_280 : memref<64x128xf32, #tpu.memory_space<hbm>>) target_semaphore(%arg7 : memref<!tpu.dma_semaphore, #tpu.memory_space<semaphore_mem>>)
    %dma_wait3A_284 = arith.constant 3 : i32
    %dma_wait3A_285 = arith.constant 80 : i32
    %dma_wait3A_286 = arith.constant 0 : i32
    %dma_wait3A_287 = tpu.memref_slice %arg4[%dma_wait3A_285, %dma_wait3A_286] : memref<256x128xf32, #tpu.memory_space<vmem>> -> memref<48x128xf32, #tpu.memory_space<vmem>>
    %dma_wait3A_288 = arith.constant 0 : i32
    %dma_wait3A_289 = tpu.memref_slice %arg2[%add3A_12, %dma_wait3A_288] : memref<8192x128xf32, #tpu.memory_space<hbm>> -> memref<48x128xf32, #tpu.memory_space<hbm>>
    %dma_wait3A_290 = tpu.memref_slice %arg6[%dma_wait3A_284] : memref<8x!tpu.dma_semaphore, #tpu.memory_space<semaphore_mem>> -> memref<1x!tpu.dma_semaphore, #tpu.memory_space<semaphore_mem>>
    %dma_wait3A_291 = tpu.memref_squeeze %dma_wait3A_290 : memref<1x!tpu.dma_semaphore, #tpu.memory_space<semaphore_mem>> -> memref<!tpu.dma_semaphore, #tpu.memory_space<semaphore_mem>>
    %dma_wait3A_292 = arith.constant 80 : i32
    %dma_wait3A_293 = arith.constant 0 : i32
    %dma_wait3A_294 = tpu.memref_slice %arg4[%dma_wait3A_292, %dma_wait3A_293] : memref<256x128xf32, #tpu.memory_space<vmem>> -> memref<48x128xf32, #tpu.memory_space<vmem>>
    %dma_wait3A_295 = arith.constant 0 : i32
    %dma_wait3A_296 = tpu.memref_slice %arg2[%add3A_12, %dma_wait3A_295] : memref<8192x128xf32, #tpu.memory_space<hbm>> -> memref<48x128xf32, #tpu.memory_space<hbm>>
    tpu.wait_dma2 semaphore(%dma_wait3A_291 : memref<!tpu.dma_semaphore, #tpu.memory_space<semaphore_mem>>) src(%dma_wait3A_296 : memref<48x128xf32, #tpu.memory_space<hbm>>) dst(%dma_wait3A_294 : memref<48x128xf32, #tpu.memory_space<vmem>>)
    %broadcast_in_dim3A_297 = arith.constant 160 : i32
    %broadcast_in_dim3A_298 = vector.broadcast %broadcast_in_dim3A_297 : i32 to vector<16xi32>
    %scan3A_299 = arith.constant 80 : i32
    %scan3A_300 = arith.constant 48 : i32
    %scan3A_301 = arith.addi %scan3A_299, %scan3A_300 : i32
    %scan3A_302 = arith.constant 1 : i32
    %scan3A_303 = scf.for %scan3A_529 = %scan3A_299 to %scan3A_301 step %scan3A_302 iter_args(%scan3A_530 = %broadcast_in_dim3A_298) -> (vector<16xi32>)  : i32 {
      %add3A_531 = arith.addi %scan3A_530, %broadcast_in_dim3A_186 : vector<16xi32>
      %get3A = arith.index_cast %scan3A_529 : i32 to index
      %get3A_532 = arith.constant 0 : index
      %get3A_533 = tpu.vector_load %arg4[%get3A, %get3A_532] {strides = array<i32>} : memref<256x128xf32, #tpu.memory_space<vmem>>, vector<16xf32>,
      %get3A_534 = arith.index_cast %scan3A_529 : i32 to index
      %get3A_535 = arith.constant 16 : index
      %get3A_536 = tpu.vector_load %arg4[%get3A_534, %get3A_535] {strides = array<i32>} : memref<256x128xf32, #tpu.memory_space<vmem>>, vector<16xf32>,
      %get3A_537 = arith.index_cast %scan3A_529 : i32 to index
      %get3A_538 = arith.constant 32 : index
      %get3A_539 = tpu.vector_load %arg4[%get3A_537, %get3A_538] {strides = array<i32>} : memref<256x128xf32, #tpu.memory_space<vmem>>, vector<16xf32>,
      %get3A_540 = arith.index_cast %scan3A_529 : i32 to index
      %get3A_541 = arith.constant 48 : index
      %get3A_542 = tpu.vector_load %arg4[%get3A_540, %get3A_541] {strides = array<i32>} : memref<256x128xf32, #tpu.memory_space<vmem>>, vector<16xf32>,
      %get3A_543 = arith.index_cast %scan3A_529 : i32 to index
      %get3A_544 = arith.constant 64 : index
      %get3A_545 = tpu.vector_load %arg4[%get3A_543, %get3A_544] {strides = array<i32>} : memref<256x128xf32, #tpu.memory_space<vmem>>, vector<16xf32>,
      %get3A_546 = arith.index_cast %scan3A_529 : i32 to index
      %get3A_547 = arith.constant 80 : index
      %get3A_548 = tpu.vector_load %arg4[%get3A_546, %get3A_547] {strides = array<i32>} : memref<256x128xf32, #tpu.memory_space<vmem>>, vector<16xf32>,
      %get3A_549 = arith.index_cast %scan3A_529 : i32 to index
      %get3A_550 = arith.constant 96 : index
      %get3A_551 = tpu.vector_load %arg4[%get3A_549, %get3A_550] {strides = array<i32>} : memref<256x128xf32, #tpu.memory_space<vmem>>, vector<16xf32>,
      %get3A_552 = arith.index_cast %scan3A_529 : i32 to index
      %get3A_553 = arith.constant 112 : index
      %get3A_554 = tpu.vector_load %arg4[%get3A_552, %get3A_553] {strides = array<i32>} : memref<256x128xf32, #tpu.memory_space<vmem>>, vector<16xf32>,
      tpu.vector_store_idx %arg5[%scan3A_530, %add3A_132], %get3A_533 : memref<512x128xf32, #tpu.memory_space<vmem>>[vector<16xi32>, vector<16xi32>], vector<16xf32>,
      tpu.vector_store_idx %arg5[%scan3A_530, %add3A_141], %get3A_536 : memref<512x128xf32, #tpu.memory_space<vmem>>[vector<16xi32>, vector<16xi32>], vector<16xf32>,
      tpu.vector_store_idx %arg5[%scan3A_530, %add3A_150], %get3A_539 : memref<512x128xf32, #tpu.memory_space<vmem>>[vector<16xi32>, vector<16xi32>], vector<16xf32>,
      tpu.vector_store_idx %arg5[%scan3A_530, %add3A_159], %get3A_542 : memref<512x128xf32, #tpu.memory_space<vmem>>[vector<16xi32>, vector<16xi32>], vector<16xf32>,
      tpu.vector_store_idx %arg5[%add3A_531, %add3A_132], %get3A_545 : memref<512x128xf32, #tpu.memory_space<vmem>>[vector<16xi32>, vector<16xi32>], vector<16xf32>,
      tpu.vector_store_idx %arg5[%add3A_531, %add3A_141], %get3A_548 : memref<512x128xf32, #tpu.memory_space<vmem>>[vector<16xi32>, vector<16xi32>], vector<16xf32>,
      tpu.vector_store_idx %arg5[%add3A_531, %add3A_150], %get3A_551 : memref<512x128xf32, #tpu.memory_space<vmem>>[vector<16xi32>, vector<16xi32>], vector<16xf32>,
      tpu.vector_store_idx %arg5[%add3A_531, %add3A_159], %get3A_554 : memref<512x128xf32, #tpu.memory_space<vmem>>[vector<16xi32>, vector<16xi32>], vector<16xf32>,
      tpu.vector_store_idx %arg5[%scan3A_530, %add3A_165], %broadcast_in_dim3A_184 : memref<512x128xf32, #tpu.memory_space<vmem>>[vector<16xi32>, vector<16xi32>], vector<16xf32>,
      tpu.vector_store_idx %arg5[%scan3A_530, %add3A_171], %broadcast_in_dim3A_184 : memref<512x128xf32, #tpu.memory_space<vmem>>[vector<16xi32>, vector<16xi32>], vector<16xf32>,
      tpu.vector_store_idx %arg5[%scan3A_530, %add3A_177], %broadcast_in_dim3A_184 : memref<512x128xf32, #tpu.memory_space<vmem>>[vector<16xi32>, vector<16xi32>], vector<16xf32>,
      tpu.vector_store_idx %arg5[%scan3A_530, %add3A_183], %broadcast_in_dim3A_184 : memref<512x128xf32, #tpu.memory_space<vmem>>[vector<16xi32>, vector<16xi32>], vector<16xf32>,
      tpu.vector_store_idx %arg5[%add3A_531, %add3A_165], %broadcast_in_dim3A_184 : memref<512x128xf32, #tpu.memory_space<vmem>>[vector<16xi32>, vector<16xi32>], vector<16xf32>,
      tpu.vector_store_idx %arg5[%add3A_531, %add3A_171], %broadcast_in_dim3A_184 : memref<512x128xf32, #tpu.memory_space<vmem>>[vector<16xi32>, vector<16xi32>], vector<16xf32>,
      tpu.vector_store_idx %arg5[%add3A_531, %add3A_177], %broadcast_in_dim3A_184 : memref<512x128xf32, #tpu.memory_space<vmem>>[vector<16xi32>, vector<16xi32>], vector<16xf32>,
      tpu.vector_store_idx %arg5[%add3A_531, %add3A_183], %broadcast_in_dim3A_184 : memref<512x128xf32, #tpu.memory_space<vmem>>[vector<16xi32>, vector<16xi32>], vector<16xf32>,
      %mul3A_555 = arith.constant 2 : i32
      %mul3A_556 = vector.broadcast %mul3A_555 : i32 to vector<16xi32>
      %mul3A_557 = arith.muli %mul3A_556, %broadcast_in_dim3A_186 : vector<16xi32>
      %add3A_558 = arith.addi %scan3A_530, %mul3A_557 : vector<16xi32>
      scf.yield %add3A_558 : vector<16xi32>
    }
    %scan3A_304 = arith.constant 48 : i32
    %add3A_305 = arith.constant 160 : i32
    %add3A_306 = arith.addi %mul3A_4, %add3A_305 : i32
    %dma_start3A_307 = arith.constant 160 : i32
    %dma_start3A_308 = arith.constant 0 : i32
    %dma_start3A_309 = tpu.memref_slice %arg5[%dma_start3A_307, %dma_start3A_308] : memref<512x128xf32, #tpu.memory_space<vmem>> -> memref<96x128xf32, #tpu.memory_space<vmem>>
    %dma_start3A_310 = arith.constant 0 : i32
    %dma_start3A_311 = tpu.memref_slice %arg3[%add3A_306, %dma_start3A_310] : memref<16384x128xf32, #tpu.memory_space<hbm>> -> memref<96x128xf32, #tpu.memory_space<hbm>>
    %dma_start3A_312 = arith.constant 0 : i32
    %dma_start3A_313 = tpu.memref_slice %arg3[%add3A_306, %dma_start3A_312] : memref<16384x128xf32, #tpu.memory_space<hbm>> -> memref<96x128xf32, #tpu.memory_space<hbm>>
    %dma_start3A_314 = arith.constant 160 : i32
    %dma_start3A_315 = arith.constant 0 : i32
    %dma_start3A_316 = tpu.memref_slice %arg5[%dma_start3A_314, %dma_start3A_315] : memref<512x128xf32, #tpu.memory_space<vmem>> -> memref<96x128xf32, #tpu.memory_space<vmem>>
    tpu.enqueue_dma source(%dma_start3A_316 : memref<96x128xf32, #tpu.memory_space<vmem>>) target(%dma_start3A_313 : memref<96x128xf32, #tpu.memory_space<hbm>>) target_semaphore(%arg7 : memref<!tpu.dma_semaphore, #tpu.memory_space<semaphore_mem>>)
    %dma_wait3A_317 = arith.constant 4 : i32
    %dma_wait3A_318 = arith.constant 128 : i32
    %dma_wait3A_319 = arith.constant 0 : i32
    %dma_wait3A_320 = tpu.memref_slice %arg4[%dma_wait3A_318, %dma_wait3A_319] : memref<256x128xf32, #tpu.memory_space<vmem>> -> memref<48x128xf32, #tpu.memory_space<vmem>>
    %dma_wait3A_321 = arith.constant 0 : i32
    %dma_wait3A_322 = tpu.memref_slice %arg2[%add3A_14, %dma_wait3A_321] : memref<8192x128xf32, #tpu.memory_space<hbm>> -> memref<48x128xf32, #tpu.memory_space<hbm>>
    %dma_wait3A_323 = tpu.memref_slice %arg6[%dma_wait3A_317] : memref<8x!tpu.dma_semaphore, #tpu.memory_space<semaphore_mem>> -> memref<1x!tpu.dma_semaphore, #tpu.memory_space<semaphore_mem>>
    %dma_wait3A_324 = tpu.memref_squeeze %dma_wait3A_323 : memref<1x!tpu.dma_semaphore, #tpu.memory_space<semaphore_mem>> -> memref<!tpu.dma_semaphore, #tpu.memory_space<semaphore_mem>>
    %dma_wait3A_325 = arith.constant 128 : i32
    %dma_wait3A_326 = arith.constant 0 : i32
    %dma_wait3A_327 = tpu.memref_slice %arg4[%dma_wait3A_325, %dma_wait3A_326] : memref<256x128xf32, #tpu.memory_space<vmem>> -> memref<48x128xf32, #tpu.memory_space<vmem>>
    %dma_wait3A_328 = arith.constant 0 : i32
    %dma_wait3A_329 = tpu.memref_slice %arg2[%add3A_14, %dma_wait3A_328] : memref<8192x128xf32, #tpu.memory_space<hbm>> -> memref<48x128xf32, #tpu.memory_space<hbm>>
    tpu.wait_dma2 semaphore(%dma_wait3A_324 : memref<!tpu.dma_semaphore, #tpu.memory_space<semaphore_mem>>) src(%dma_wait3A_329 : memref<48x128xf32, #tpu.memory_space<hbm>>) dst(%dma_wait3A_327 : memref<48x128xf32, #tpu.memory_space<vmem>>)
    %broadcast_in_dim3A_330 = arith.constant 256 : i32
    %broadcast_in_dim3A_331 = vector.broadcast %broadcast_in_dim3A_330 : i32 to vector<16xi32>
    %scan3A_332 = arith.constant 128 : i32
    %scan3A_333 = arith.constant 48 : i32
    %scan3A_334 = arith.addi %scan3A_332, %scan3A_333 : i32
    %scan3A_335 = arith.constant 1 : i32
    %scan3A_336 = scf.for %scan3A_529 = %scan3A_332 to %scan3A_334 step %scan3A_335 iter_args(%scan3A_530 = %broadcast_in_dim3A_331) -> (vector<16xi32>)  : i32 {
      %add3A_531 = arith.addi %scan3A_530, %broadcast_in_dim3A_186 : vector<16xi32>
      %get3A = arith.index_cast %scan3A_529 : i32 to index
      %get3A_532 = arith.constant 0 : index
      %get3A_533 = tpu.vector_load %arg4[%get3A, %get3A_532] {strides = array<i32>} : memref<256x128xf32, #tpu.memory_space<vmem>>, vector<16xf32>,
      %get3A_534 = arith.index_cast %scan3A_529 : i32 to index
      %get3A_535 = arith.constant 16 : index
      %get3A_536 = tpu.vector_load %arg4[%get3A_534, %get3A_535] {strides = array<i32>} : memref<256x128xf32, #tpu.memory_space<vmem>>, vector<16xf32>,
      %get3A_537 = arith.index_cast %scan3A_529 : i32 to index
      %get3A_538 = arith.constant 32 : index
      %get3A_539 = tpu.vector_load %arg4[%get3A_537, %get3A_538] {strides = array<i32>} : memref<256x128xf32, #tpu.memory_space<vmem>>, vector<16xf32>,
      %get3A_540 = arith.index_cast %scan3A_529 : i32 to index
      %get3A_541 = arith.constant 48 : index
      %get3A_542 = tpu.vector_load %arg4[%get3A_540, %get3A_541] {strides = array<i32>} : memref<256x128xf32, #tpu.memory_space<vmem>>, vector<16xf32>,
      %get3A_543 = arith.index_cast %scan3A_529 : i32 to index
      %get3A_544 = arith.constant 64 : index
      %get3A_545 = tpu.vector_load %arg4[%get3A_543, %get3A_544] {strides = array<i32>} : memref<256x128xf32, #tpu.memory_space<vmem>>, vector<16xf32>,
      %get3A_546 = arith.index_cast %scan3A_529 : i32 to index
      %get3A_547 = arith.constant 80 : index
      %get3A_548 = tpu.vector_load %arg4[%get3A_546, %get3A_547] {strides = array<i32>} : memref<256x128xf32, #tpu.memory_space<vmem>>, vector<16xf32>,
      %get3A_549 = arith.index_cast %scan3A_529 : i32 to index
      %get3A_550 = arith.constant 96 : index
      %get3A_551 = tpu.vector_load %arg4[%get3A_549, %get3A_550] {strides = array<i32>} : memref<256x128xf32, #tpu.memory_space<vmem>>, vector<16xf32>,
      %get3A_552 = arith.index_cast %scan3A_529 : i32 to index
      %get3A_553 = arith.constant 112 : index
      %get3A_554 = tpu.vector_load %arg4[%get3A_552, %get3A_553] {strides = array<i32>} : memref<256x128xf32, #tpu.memory_space<vmem>>, vector<16xf32>,
      tpu.vector_store_idx %arg5[%scan3A_530, %add3A_132], %get3A_533 : memref<512x128xf32, #tpu.memory_space<vmem>>[vector<16xi32>, vector<16xi32>], vector<16xf32>,
      tpu.vector_store_idx %arg5[%scan3A_530, %add3A_141], %get3A_536 : memref<512x128xf32, #tpu.memory_space<vmem>>[vector<16xi32>, vector<16xi32>], vector<16xf32>,
      tpu.vector_store_idx %arg5[%scan3A_530, %add3A_150], %get3A_539 : memref<512x128xf32, #tpu.memory_space<vmem>>[vector<16xi32>, vector<16xi32>], vector<16xf32>,
      tpu.vector_store_idx %arg5[%scan3A_530, %add3A_159], %get3A_542 : memref<512x128xf32, #tpu.memory_space<vmem>>[vector<16xi32>, vector<16xi32>], vector<16xf32>,
      tpu.vector_store_idx %arg5[%add3A_531, %add3A_132], %get3A_545 : memref<512x128xf32, #tpu.memory_space<vmem>>[vector<16xi32>, vector<16xi32>], vector<16xf32>,
      tpu.vector_store_idx %arg5[%add3A_531, %add3A_141], %get3A_548 : memref<512x128xf32, #tpu.memory_space<vmem>>[vector<16xi32>, vector<16xi32>], vector<16xf32>,
      tpu.vector_store_idx %arg5[%add3A_531, %add3A_150], %get3A_551 : memref<512x128xf32, #tpu.memory_space<vmem>>[vector<16xi32>, vector<16xi32>], vector<16xf32>,
      tpu.vector_store_idx %arg5[%add3A_531, %add3A_159], %get3A_554 : memref<512x128xf32, #tpu.memory_space<vmem>>[vector<16xi32>, vector<16xi32>], vector<16xf32>,
      tpu.vector_store_idx %arg5[%scan3A_530, %add3A_165], %broadcast_in_dim3A_184 : memref<512x128xf32, #tpu.memory_space<vmem>>[vector<16xi32>, vector<16xi32>], vector<16xf32>,
      tpu.vector_store_idx %arg5[%scan3A_530, %add3A_171], %broadcast_in_dim3A_184 : memref<512x128xf32, #tpu.memory_space<vmem>>[vector<16xi32>, vector<16xi32>], vector<16xf32>,
      tpu.vector_store_idx %arg5[%scan3A_530, %add3A_177], %broadcast_in_dim3A_184 : memref<512x128xf32, #tpu.memory_space<vmem>>[vector<16xi32>, vector<16xi32>], vector<16xf32>,
      tpu.vector_store_idx %arg5[%scan3A_530, %add3A_183], %broadcast_in_dim3A_184 : memref<512x128xf32, #tpu.memory_space<vmem>>[vector<16xi32>, vector<16xi32>], vector<16xf32>,
      tpu.vector_store_idx %arg5[%add3A_531, %add3A_165], %broadcast_in_dim3A_184 : memref<512x128xf32, #tpu.memory_space<vmem>>[vector<16xi32>, vector<16xi32>], vector<16xf32>,
      tpu.vector_store_idx %arg5[%add3A_531, %add3A_171], %broadcast_in_dim3A_184 : memref<512x128xf32, #tpu.memory_space<vmem>>[vector<16xi32>, vector<16xi32>], vector<16xf32>,
      tpu.vector_store_idx %arg5[%add3A_531, %add3A_177], %broadcast_in_dim3A_184 : memref<512x128xf32, #tpu.memory_space<vmem>>[vector<16xi32>, vector<16xi32>], vector<16xf32>,
      tpu.vector_store_idx %arg5[%add3A_531, %add3A_183], %broadcast_in_dim3A_184 : memref<512x128xf32, #tpu.memory_space<vmem>>[vector<16xi32>, vector<16xi32>], vector<16xf32>,
      %mul3A_555 = arith.constant 2 : i32
      %mul3A_556 = vector.broadcast %mul3A_555 : i32 to vector<16xi32>
      %mul3A_557 = arith.muli %mul3A_556, %broadcast_in_dim3A_186 : vector<16xi32>
      %add3A_558 = arith.addi %scan3A_530, %mul3A_557 : vector<16xi32>
      scf.yield %add3A_558 : vector<16xi32>
    }
    %scan3A_337 = arith.constant 48 : i32
    %add3A_338 = arith.constant 256 : i32
    %add3A_339 = arith.addi %mul3A_4, %add3A_338 : i32
    %dma_start3A_340 = arith.constant 256 : i32
    %dma_start3A_341 = arith.constant 0 : i32
    %dma_start3A_342 = tpu.memref_slice %arg5[%dma_start3A_340, %dma_start3A_341] : memref<512x128xf32, #tpu.memory_space<vmem>> -> memref<96x128xf32, #tpu.memory_space<vmem>>
    %dma_start3A_343 = arith.constant 0 : i32
    %dma_start3A_344 = tpu.memref_slice %arg3[%add3A_339, %dma_start3A_343] : memref<16384x128xf32, #tpu.memory_space<hbm>> -> memref<96x128xf32, #tpu.memory_space<hbm>>
    %dma_start3A_345 = arith.constant 0 : i32
    %dma_start3A_346 = tpu.memref_slice %arg3[%add3A_339, %dma_start3A_345] : memref<16384x128xf32, #tpu.memory_space<hbm>> -> memref<96x128xf32, #tpu.memory_space<hbm>>
    %dma_start3A_347 = arith.constant 256 : i32
    %dma_start3A_348 = arith.constant 0 : i32
    %dma_start3A_349 = tpu.memref_slice %arg5[%dma_start3A_347, %dma_start3A_348] : memref<512x128xf32, #tpu.memory_space<vmem>> -> memref<96x128xf32, #tpu.memory_space<vmem>>
    tpu.enqueue_dma source(%dma_start3A_349 : memref<96x128xf32, #tpu.memory_space<vmem>>) target(%dma_start3A_346 : memref<96x128xf32, #tpu.memory_space<hbm>>) target_semaphore(%arg7 : memref<!tpu.dma_semaphore, #tpu.memory_space<semaphore_mem>>)
    %dma_wait3A_350 = arith.constant 5 : i32
    %dma_wait3A_351 = arith.constant 176 : i32
    %dma_wait3A_352 = arith.constant 0 : i32
    %dma_wait3A_353 = tpu.memref_slice %arg4[%dma_wait3A_351, %dma_wait3A_352] : memref<256x128xf32, #tpu.memory_space<vmem>> -> memref<32x128xf32, #tpu.memory_space<vmem>>
    %dma_wait3A_354 = arith.constant 0 : i32
    %dma_wait3A_355 = tpu.memref_slice %arg2[%add3A_16, %dma_wait3A_354] : memref<8192x128xf32, #tpu.memory_space<hbm>> -> memref<32x128xf32, #tpu.memory_space<hbm>>
    %dma_wait3A_356 = tpu.memref_slice %arg6[%dma_wait3A_350] : memref<8x!tpu.dma_semaphore, #tpu.memory_space<semaphore_mem>> -> memref<1x!tpu.dma_semaphore, #tpu.memory_space<semaphore_mem>>
    %dma_wait3A_357 = tpu.memref_squeeze %dma_wait3A_356 : memref<1x!tpu.dma_semaphore, #tpu.memory_space<semaphore_mem>> -> memref<!tpu.dma_semaphore, #tpu.memory_space<semaphore_mem>>
    %dma_wait3A_358 = arith.constant 176 : i32
    %dma_wait3A_359 = arith.constant 0 : i32
    %dma_wait3A_360 = tpu.memref_slice %arg4[%dma_wait3A_358, %dma_wait3A_359] : memref<256x128xf32, #tpu.memory_space<vmem>> -> memref<32x128xf32, #tpu.memory_space<vmem>>
    %dma_wait3A_361 = arith.constant 0 : i32
    %dma_wait3A_362 = tpu.memref_slice %arg2[%add3A_16, %dma_wait3A_361] : memref<8192x128xf32, #tpu.memory_space<hbm>> -> memref<32x128xf32, #tpu.memory_space<hbm>>
    tpu.wait_dma2 semaphore(%dma_wait3A_357 : memref<!tpu.dma_semaphore, #tpu.memory_space<semaphore_mem>>) src(%dma_wait3A_362 : memref<32x128xf32, #tpu.memory_space<hbm>>) dst(%dma_wait3A_360 : memref<32x128xf32, #tpu.memory_space<vmem>>)
    %broadcast_in_dim3A_363 = arith.constant 352 : i32
    %broadcast_in_dim3A_364 = vector.broadcast %broadcast_in_dim3A_363 : i32 to vector<16xi32>
    %scan3A_365 = arith.constant 176 : i32
    %scan3A_366 = arith.constant 32 : i32
    %scan3A_367 = arith.addi %scan3A_365, %scan3A_366 : i32
    %scan3A_368 = arith.constant 1 : i32
    %scan3A_369 = scf.for %scan3A_529 = %scan3A_365 to %scan3A_367 step %scan3A_368 iter_args(%scan3A_530 = %broadcast_in_dim3A_364) -> (vector<16xi32>)  : i32 {
      %add3A_531 = arith.addi %scan3A_530, %broadcast_in_dim3A_186 : vector<16xi32>
      %get3A = arith.index_cast %scan3A_529 : i32 to index
      %get3A_532 = arith.constant 0 : index
      %get3A_533 = tpu.vector_load %arg4[%get3A, %get3A_532] {strides = array<i32>} : memref<256x128xf32, #tpu.memory_space<vmem>>, vector<16xf32>,
      %get3A_534 = arith.index_cast %scan3A_529 : i32 to index
      %get3A_535 = arith.constant 16 : index
      %get3A_536 = tpu.vector_load %arg4[%get3A_534, %get3A_535] {strides = array<i32>} : memref<256x128xf32, #tpu.memory_space<vmem>>, vector<16xf32>,
      %get3A_537 = arith.index_cast %scan3A_529 : i32 to index
      %get3A_538 = arith.constant 32 : index
      %get3A_539 = tpu.vector_load %arg4[%get3A_537, %get3A_538] {strides = array<i32>} : memref<256x128xf32, #tpu.memory_space<vmem>>, vector<16xf32>,
      %get3A_540 = arith.index_cast %scan3A_529 : i32 to index
      %get3A_541 = arith.constant 48 : index
      %get3A_542 = tpu.vector_load %arg4[%get3A_540, %get3A_541] {strides = array<i32>} : memref<256x128xf32, #tpu.memory_space<vmem>>, vector<16xf32>,
      %get3A_543 = arith.index_cast %scan3A_529 : i32 to index
      %get3A_544 = arith.constant 64 : index
      %get3A_545 = tpu.vector_load %arg4[%get3A_543, %get3A_544] {strides = array<i32>} : memref<256x128xf32, #tpu.memory_space<vmem>>, vector<16xf32>,
      %get3A_546 = arith.index_cast %scan3A_529 : i32 to index
      %get3A_547 = arith.constant 80 : index
      %get3A_548 = tpu.vector_load %arg4[%get3A_546, %get3A_547] {strides = array<i32>} : memref<256x128xf32, #tpu.memory_space<vmem>>, vector<16xf32>,
      %get3A_549 = arith.index_cast %scan3A_529 : i32 to index
      %get3A_550 = arith.constant 96 : index
      %get3A_551 = tpu.vector_load %arg4[%get3A_549, %get3A_550] {strides = array<i32>} : memref<256x128xf32, #tpu.memory_space<vmem>>, vector<16xf32>,
      %get3A_552 = arith.index_cast %scan3A_529 : i32 to index
      %get3A_553 = arith.constant 112 : index
      %get3A_554 = tpu.vector_load %arg4[%get3A_552, %get3A_553] {strides = array<i32>} : memref<256x128xf32, #tpu.memory_space<vmem>>, vector<16xf32>,
      tpu.vector_store_idx %arg5[%scan3A_530, %add3A_132], %get3A_533 : memref<512x128xf32, #tpu.memory_space<vmem>>[vector<16xi32>, vector<16xi32>], vector<16xf32>,
      tpu.vector_store_idx %arg5[%scan3A_530, %add3A_141], %get3A_536 : memref<512x128xf32, #tpu.memory_space<vmem>>[vector<16xi32>, vector<16xi32>], vector<16xf32>,
      tpu.vector_store_idx %arg5[%scan3A_530, %add3A_150], %get3A_539 : memref<512x128xf32, #tpu.memory_space<vmem>>[vector<16xi32>, vector<16xi32>], vector<16xf32>,
      tpu.vector_store_idx %arg5[%scan3A_530, %add3A_159], %get3A_542 : memref<512x128xf32, #tpu.memory_space<vmem>>[vector<16xi32>, vector<16xi32>], vector<16xf32>,
      tpu.vector_store_idx %arg5[%add3A_531, %add3A_132], %get3A_545 : memref<512x128xf32, #tpu.memory_space<vmem>>[vector<16xi32>, vector<16xi32>], vector<16xf32>,
      tpu.vector_store_idx %arg5[%add3A_531, %add3A_141], %get3A_548 : memref<512x128xf32, #tpu.memory_space<vmem>>[vector<16xi32>, vector<16xi32>], vector<16xf32>,
      tpu.vector_store_idx %arg5[%add3A_531, %add3A_150], %get3A_551 : memref<512x128xf32, #tpu.memory_space<vmem>>[vector<16xi32>, vector<16xi32>], vector<16xf32>,
      tpu.vector_store_idx %arg5[%add3A_531, %add3A_159], %get3A_554 : memref<512x128xf32, #tpu.memory_space<vmem>>[vector<16xi32>, vector<16xi32>], vector<16xf32>,
      tpu.vector_store_idx %arg5[%scan3A_530, %add3A_165], %broadcast_in_dim3A_184 : memref<512x128xf32, #tpu.memory_space<vmem>>[vector<16xi32>, vector<16xi32>], vector<16xf32>,
      tpu.vector_store_idx %arg5[%scan3A_530, %add3A_171], %broadcast_in_dim3A_184 : memref<512x128xf32, #tpu.memory_space<vmem>>[vector<16xi32>, vector<16xi32>], vector<16xf32>,
      tpu.vector_store_idx %arg5[%scan3A_530, %add3A_177], %broadcast_in_dim3A_184 : memref<512x128xf32, #tpu.memory_space<vmem>>[vector<16xi32>, vector<16xi32>], vector<16xf32>,
      tpu.vector_store_idx %arg5[%scan3A_530, %add3A_183], %broadcast_in_dim3A_184 : memref<512x128xf32, #tpu.memory_space<vmem>>[vector<16xi32>, vector<16xi32>], vector<16xf32>,
      tpu.vector_store_idx %arg5[%add3A_531, %add3A_165], %broadcast_in_dim3A_184 : memref<512x128xf32, #tpu.memory_space<vmem>>[vector<16xi32>, vector<16xi32>], vector<16xf32>,
      tpu.vector_store_idx %arg5[%add3A_531, %add3A_171], %broadcast_in_dim3A_184 : memref<512x128xf32, #tpu.memory_space<vmem>>[vector<16xi32>, vector<16xi32>], vector<16xf32>,
      tpu.vector_store_idx %arg5[%add3A_531, %add3A_177], %broadcast_in_dim3A_184 : memref<512x128xf32, #tpu.memory_space<vmem>>[vector<16xi32>, vector<16xi32>], vector<16xf32>,
      tpu.vector_store_idx %arg5[%add3A_531, %add3A_183], %broadcast_in_dim3A_184 : memref<512x128xf32, #tpu.memory_space<vmem>>[vector<16xi32>, vector<16xi32>], vector<16xf32>,
      %mul3A_555 = arith.constant 2 : i32
      %mul3A_556 = vector.broadcast %mul3A_555 : i32 to vector<16xi32>
      %mul3A_557 = arith.muli %mul3A_556, %broadcast_in_dim3A_186 : vector<16xi32>
      %add3A_558 = arith.addi %scan3A_530, %mul3A_557 : vector<16xi32>
      scf.yield %add3A_558 : vector<16xi32>
    }
    %scan3A_370 = arith.constant 32 : i32
    %add3A_371 = arith.constant 352 : i32
    %add3A_372 = arith.addi %mul3A_4, %add3A_371 : i32
    %dma_start3A_373 = arith.constant 352 : i32
    %dma_start3A_374 = arith.constant 0 : i32
    %dma_start3A_375 = tpu.memref_slice %arg5[%dma_start3A_373, %dma_start3A_374] : memref<512x128xf32, #tpu.memory_space<vmem>> -> memref<64x128xf32, #tpu.memory_space<vmem>>
    %dma_start3A_376 = arith.constant 0 : i32
    %dma_start3A_377 = tpu.memref_slice %arg3[%add3A_372, %dma_start3A_376] : memref<16384x128xf32, #tpu.memory_space<hbm>> -> memref<64x128xf32, #tpu.memory_space<hbm>>
    %dma_start3A_378 = arith.constant 0 : i32
    %dma_start3A_379 = tpu.memref_slice %arg3[%add3A_372, %dma_start3A_378] : memref<16384x128xf32, #tpu.memory_space<hbm>> -> memref<64x128xf32, #tpu.memory_space<hbm>>
    %dma_start3A_380 = arith.constant 352 : i32
    %dma_start3A_381 = arith.constant 0 : i32
    %dma_start3A_382 = tpu.memref_slice %arg5[%dma_start3A_380, %dma_start3A_381] : memref<512x128xf32, #tpu.memory_space<vmem>> -> memref<64x128xf32, #tpu.memory_space<vmem>>
    tpu.enqueue_dma source(%dma_start3A_382 : memref<64x128xf32, #tpu.memory_space<vmem>>) target(%dma_start3A_379 : memref<64x128xf32, #tpu.memory_space<hbm>>) target_semaphore(%arg7 : memref<!tpu.dma_semaphore, #tpu.memory_space<semaphore_mem>>)
    %dma_wait3A_383 = arith.constant 6 : i32
    %dma_wait3A_384 = arith.constant 208 : i32
    %dma_wait3A_385 = arith.constant 0 : i32
    %dma_wait3A_386 = tpu.memref_slice %arg4[%dma_wait3A_384, %dma_wait3A_385] : memref<256x128xf32, #tpu.memory_space<vmem>> -> memref<32x128xf32, #tpu.memory_space<vmem>>
    %dma_wait3A_387 = arith.constant 0 : i32
    %dma_wait3A_388 = tpu.memref_slice %arg2[%add3A_18, %dma_wait3A_387] : memref<8192x128xf32, #tpu.memory_space<hbm>> -> memref<32x128xf32, #tpu.memory_space<hbm>>
    %dma_wait3A_389 = tpu.memref_slice %arg6[%dma_wait3A_383] : memref<8x!tpu.dma_semaphore, #tpu.memory_space<semaphore_mem>> -> memref<1x!tpu.dma_semaphore, #tpu.memory_space<semaphore_mem>>
    %dma_wait3A_390 = tpu.memref_squeeze %dma_wait3A_389 : memref<1x!tpu.dma_semaphore, #tpu.memory_space<semaphore_mem>> -> memref<!tpu.dma_semaphore, #tpu.memory_space<semaphore_mem>>
    %dma_wait3A_391 = arith.constant 208 : i32
    %dma_wait3A_392 = arith.constant 0 : i32
    %dma_wait3A_393 = tpu.memref_slice %arg4[%dma_wait3A_391, %dma_wait3A_392] : memref<256x128xf32, #tpu.memory_space<vmem>> -> memref<32x128xf32, #tpu.memory_space<vmem>>
    %dma_wait3A_394 = arith.constant 0 : i32
    %dma_wait3A_395 = tpu.memref_slice %arg2[%add3A_18, %dma_wait3A_394] : memref<8192x128xf32, #tpu.memory_space<hbm>> -> memref<32x128xf32, #tpu.memory_space<hbm>>
    tpu.wait_dma2 semaphore(%dma_wait3A_390 : memref<!tpu.dma_semaphore, #tpu.memory_space<semaphore_mem>>) src(%dma_wait3A_395 : memref<32x128xf32, #tpu.memory_space<hbm>>) dst(%dma_wait3A_393 : memref<32x128xf32, #tpu.memory_space<vmem>>)
    %broadcast_in_dim3A_396 = arith.constant 416 : i32
    %broadcast_in_dim3A_397 = vector.broadcast %broadcast_in_dim3A_396 : i32 to vector<16xi32>
    %scan3A_398 = arith.constant 208 : i32
    %scan3A_399 = arith.constant 32 : i32
    %scan3A_400 = arith.addi %scan3A_398, %scan3A_399 : i32
    %scan3A_401 = arith.constant 1 : i32
    %scan3A_402 = scf.for %scan3A_529 = %scan3A_398 to %scan3A_400 step %scan3A_401 iter_args(%scan3A_530 = %broadcast_in_dim3A_397) -> (vector<16xi32>)  : i32 {
      %add3A_531 = arith.addi %scan3A_530, %broadcast_in_dim3A_186 : vector<16xi32>
      %get3A = arith.index_cast %scan3A_529 : i32 to index
      %get3A_532 = arith.constant 0 : index
      %get3A_533 = tpu.vector_load %arg4[%get3A, %get3A_532] {strides = array<i32>} : memref<256x128xf32, #tpu.memory_space<vmem>>, vector<16xf32>,
      %get3A_534 = arith.index_cast %scan3A_529 : i32 to index
      %get3A_535 = arith.constant 16 : index
      %get3A_536 = tpu.vector_load %arg4[%get3A_534, %get3A_535] {strides = array<i32>} : memref<256x128xf32, #tpu.memory_space<vmem>>, vector<16xf32>,
      %get3A_537 = arith.index_cast %scan3A_529 : i32 to index
      %get3A_538 = arith.constant 32 : index
      %get3A_539 = tpu.vector_load %arg4[%get3A_537, %get3A_538] {strides = array<i32>} : memref<256x128xf32, #tpu.memory_space<vmem>>, vector<16xf32>,
      %get3A_540 = arith.index_cast %scan3A_529 : i32 to index
      %get3A_541 = arith.constant 48 : index
      %get3A_542 = tpu.vector_load %arg4[%get3A_540, %get3A_541] {strides = array<i32>} : memref<256x128xf32, #tpu.memory_space<vmem>>, vector<16xf32>,
      %get3A_543 = arith.index_cast %scan3A_529 : i32 to index
      %get3A_544 = arith.constant 64 : index
      %get3A_545 = tpu.vector_load %arg4[%get3A_543, %get3A_544] {strides = array<i32>} : memref<256x128xf32, #tpu.memory_space<vmem>>, vector<16xf32>,
      %get3A_546 = arith.index_cast %scan3A_529 : i32 to index
      %get3A_547 = arith.constant 80 : index
      %get3A_548 = tpu.vector_load %arg4[%get3A_546, %get3A_547] {strides = array<i32>} : memref<256x128xf32, #tpu.memory_space<vmem>>, vector<16xf32>,
      %get3A_549 = arith.index_cast %scan3A_529 : i32 to index
      %get3A_550 = arith.constant 96 : index
      %get3A_551 = tpu.vector_load %arg4[%get3A_549, %get3A_550] {strides = array<i32>} : memref<256x128xf32, #tpu.memory_space<vmem>>, vector<16xf32>,
      %get3A_552 = arith.index_cast %scan3A_529 : i32 to index
      %get3A_553 = arith.constant 112 : index
      %get3A_554 = tpu.vector_load %arg4[%get3A_552, %get3A_553] {strides = array<i32>} : memref<256x128xf32, #tpu.memory_space<vmem>>, vector<16xf32>,
      tpu.vector_store_idx %arg5[%scan3A_530, %add3A_132], %get3A_533 : memref<512x128xf32, #tpu.memory_space<vmem>>[vector<16xi32>, vector<16xi32>], vector<16xf32>,
      tpu.vector_store_idx %arg5[%scan3A_530, %add3A_141], %get3A_536 : memref<512x128xf32, #tpu.memory_space<vmem>>[vector<16xi32>, vector<16xi32>], vector<16xf32>,
      tpu.vector_store_idx %arg5[%scan3A_530, %add3A_150], %get3A_539 : memref<512x128xf32, #tpu.memory_space<vmem>>[vector<16xi32>, vector<16xi32>], vector<16xf32>,
      tpu.vector_store_idx %arg5[%scan3A_530, %add3A_159], %get3A_542 : memref<512x128xf32, #tpu.memory_space<vmem>>[vector<16xi32>, vector<16xi32>], vector<16xf32>,
      tpu.vector_store_idx %arg5[%add3A_531, %add3A_132], %get3A_545 : memref<512x128xf32, #tpu.memory_space<vmem>>[vector<16xi32>, vector<16xi32>], vector<16xf32>,
      tpu.vector_store_idx %arg5[%add3A_531, %add3A_141], %get3A_548 : memref<512x128xf32, #tpu.memory_space<vmem>>[vector<16xi32>, vector<16xi32>], vector<16xf32>,
      tpu.vector_store_idx %arg5[%add3A_531, %add3A_150], %get3A_551 : memref<512x128xf32, #tpu.memory_space<vmem>>[vector<16xi32>, vector<16xi32>], vector<16xf32>,
      tpu.vector_store_idx %arg5[%add3A_531, %add3A_159], %get3A_554 : memref<512x128xf32, #tpu.memory_space<vmem>>[vector<16xi32>, vector<16xi32>], vector<16xf32>,
      tpu.vector_store_idx %arg5[%scan3A_530, %add3A_165], %broadcast_in_dim3A_184 : memref<512x128xf32, #tpu.memory_space<vmem>>[vector<16xi32>, vector<16xi32>], vector<16xf32>,
      tpu.vector_store_idx %arg5[%scan3A_530, %add3A_171], %broadcast_in_dim3A_184 : memref<512x128xf32, #tpu.memory_space<vmem>>[vector<16xi32>, vector<16xi32>], vector<16xf32>,
      tpu.vector_store_idx %arg5[%scan3A_530, %add3A_177], %broadcast_in_dim3A_184 : memref<512x128xf32, #tpu.memory_space<vmem>>[vector<16xi32>, vector<16xi32>], vector<16xf32>,
      tpu.vector_store_idx %arg5[%scan3A_530, %add3A_183], %broadcast_in_dim3A_184 : memref<512x128xf32, #tpu.memory_space<vmem>>[vector<16xi32>, vector<16xi32>], vector<16xf32>,
      tpu.vector_store_idx %arg5[%add3A_531, %add3A_165], %broadcast_in_dim3A_184 : memref<512x128xf32, #tpu.memory_space<vmem>>[vector<16xi32>, vector<16xi32>], vector<16xf32>,
      tpu.vector_store_idx %arg5[%add3A_531, %add3A_171], %broadcast_in_dim3A_184 : memref<512x128xf32, #tpu.memory_space<vmem>>[vector<16xi32>, vector<16xi32>], vector<16xf32>,
      tpu.vector_store_idx %arg5[%add3A_531, %add3A_177], %broadcast_in_dim3A_184 : memref<512x128xf32, #tpu.memory_space<vmem>>[vector<16xi32>, vector<16xi32>], vector<16xf32>,
      tpu.vector_store_idx %arg5[%add3A_531, %add3A_183], %broadcast_in_dim3A_184 : memref<512x128xf32, #tpu.memory_space<vmem>>[vector<16xi32>, vector<16xi32>], vector<16xf32>,
      %mul3A_555 = arith.constant 2 : i32
      %mul3A_556 = vector.broadcast %mul3A_555 : i32 to vector<16xi32>
      %mul3A_557 = arith.muli %mul3A_556, %broadcast_in_dim3A_186 : vector<16xi32>
      %add3A_558 = arith.addi %scan3A_530, %mul3A_557 : vector<16xi32>
      scf.yield %add3A_558 : vector<16xi32>
    }
    %scan3A_403 = arith.constant 32 : i32
    %add3A_404 = arith.constant 416 : i32
    %add3A_405 = arith.addi %mul3A_4, %add3A_404 : i32
    %dma_start3A_406 = arith.constant 416 : i32
    %dma_start3A_407 = arith.constant 0 : i32
    %dma_start3A_408 = tpu.memref_slice %arg5[%dma_start3A_406, %dma_start3A_407] : memref<512x128xf32, #tpu.memory_space<vmem>> -> memref<64x128xf32, #tpu.memory_space<vmem>>
    %dma_start3A_409 = arith.constant 0 : i32
    %dma_start3A_410 = tpu.memref_slice %arg3[%add3A_405, %dma_start3A_409] : memref<16384x128xf32, #tpu.memory_space<hbm>> -> memref<64x128xf32, #tpu.memory_space<hbm>>
    %dma_start3A_411 = arith.constant 0 : i32
    %dma_start3A_412 = tpu.memref_slice %arg3[%add3A_405, %dma_start3A_411] : memref<16384x128xf32, #tpu.memory_space<hbm>> -> memref<64x128xf32, #tpu.memory_space<hbm>>
    %dma_start3A_413 = arith.constant 416 : i32
    %dma_start3A_414 = arith.constant 0 : i32
    %dma_start3A_415 = tpu.memref_slice %arg5[%dma_start3A_413, %dma_start3A_414] : memref<512x128xf32, #tpu.memory_space<vmem>> -> memref<64x128xf32, #tpu.memory_space<vmem>>
    tpu.enqueue_dma source(%dma_start3A_415 : memref<64x128xf32, #tpu.memory_space<vmem>>) target(%dma_start3A_412 : memref<64x128xf32, #tpu.memory_space<hbm>>) target_semaphore(%arg7 : memref<!tpu.dma_semaphore, #tpu.memory_space<semaphore_mem>>)
    %dma_wait3A_416 = arith.constant 7 : i32
    %dma_wait3A_417 = arith.constant 240 : i32
    %dma_wait3A_418 = arith.constant 0 : i32
    %dma_wait3A_419 = tpu.memref_slice %arg4[%dma_wait3A_417, %dma_wait3A_418] : memref<256x128xf32, #tpu.memory_space<vmem>> -> memref<16x128xf32, #tpu.memory_space<vmem>>
    %dma_wait3A_420 = arith.constant 0 : i32
    %dma_wait3A_421 = tpu.memref_slice %arg2[%add3A_20, %dma_wait3A_420] : memref<8192x128xf32, #tpu.memory_space<hbm>> -> memref<16x128xf32, #tpu.memory_space<hbm>>
    %dma_wait3A_422 = tpu.memref_slice %arg6[%dma_wait3A_416] : memref<8x!tpu.dma_semaphore, #tpu.memory_space<semaphore_mem>> -> memref<1x!tpu.dma_semaphore, #tpu.memory_space<semaphore_mem>>
    %dma_wait3A_423 = tpu.memref_squeeze %dma_wait3A_422 : memref<1x!tpu.dma_semaphore, #tpu.memory_space<semaphore_mem>> -> memref<!tpu.dma_semaphore, #tpu.memory_space<semaphore_mem>>
    %dma_wait3A_424 = arith.constant 240 : i32
    %dma_wait3A_425 = arith.constant 0 : i32
    %dma_wait3A_426 = tpu.memref_slice %arg4[%dma_wait3A_424, %dma_wait3A_425] : memref<256x128xf32, #tpu.memory_space<vmem>> -> memref<16x128xf32, #tpu.memory_space<vmem>>
    %dma_wait3A_427 = arith.constant 0 : i32
    %dma_wait3A_428 = tpu.memref_slice %arg2[%add3A_20, %dma_wait3A_427] : memref<8192x128xf32, #tpu.memory_space<hbm>> -> memref<16x128xf32, #tpu.memory_space<hbm>>
    tpu.wait_dma2 semaphore(%dma_wait3A_423 : memref<!tpu.dma_semaphore, #tpu.memory_space<semaphore_mem>>) src(%dma_wait3A_428 : memref<16x128xf32, #tpu.memory_space<hbm>>) dst(%dma_wait3A_426 : memref<16x128xf32, #tpu.memory_space<vmem>>)
    %broadcast_in_dim3A_429 = arith.constant 480 : i32
    %broadcast_in_dim3A_430 = vector.broadcast %broadcast_in_dim3A_429 : i32 to vector<16xi32>
    %scan3A_431 = arith.constant 240 : i32
    %scan3A_432 = arith.constant 16 : i32
    %scan3A_433 = arith.addi %scan3A_431, %scan3A_432 : i32
    %scan3A_434 = arith.constant 1 : i32
    %scan3A_435 = scf.for %scan3A_529 = %scan3A_431 to %scan3A_433 step %scan3A_434 iter_args(%scan3A_530 = %broadcast_in_dim3A_430) -> (vector<16xi32>)  : i32 {
      %add3A_531 = arith.addi %scan3A_530, %broadcast_in_dim3A_186 : vector<16xi32>
      %get3A = arith.index_cast %scan3A_529 : i32 to index
      %get3A_532 = arith.constant 0 : index
      %get3A_533 = tpu.vector_load %arg4[%get3A, %get3A_532] {strides = array<i32>} : memref<256x128xf32, #tpu.memory_space<vmem>>, vector<16xf32>,
      %get3A_534 = arith.index_cast %scan3A_529 : i32 to index
      %get3A_535 = arith.constant 16 : index
      %get3A_536 = tpu.vector_load %arg4[%get3A_534, %get3A_535] {strides = array<i32>} : memref<256x128xf32, #tpu.memory_space<vmem>>, vector<16xf32>,
      %get3A_537 = arith.index_cast %scan3A_529 : i32 to index
      %get3A_538 = arith.constant 32 : index
      %get3A_539 = tpu.vector_load %arg4[%get3A_537, %get3A_538] {strides = array<i32>} : memref<256x128xf32, #tpu.memory_space<vmem>>, vector<16xf32>,
      %get3A_540 = arith.index_cast %scan3A_529 : i32 to index
      %get3A_541 = arith.constant 48 : index
      %get3A_542 = tpu.vector_load %arg4[%get3A_540, %get3A_541] {strides = array<i32>} : memref<256x128xf32, #tpu.memory_space<vmem>>, vector<16xf32>,
      %get3A_543 = arith.index_cast %scan3A_529 : i32 to index
      %get3A_544 = arith.constant 64 : index
      %get3A_545 = tpu.vector_load %arg4[%get3A_543, %get3A_544] {strides = array<i32>} : memref<256x128xf32, #tpu.memory_space<vmem>>, vector<16xf32>,
      %get3A_546 = arith.index_cast %scan3A_529 : i32 to index
      %get3A_547 = arith.constant 80 : index
      %get3A_548 = tpu.vector_load %arg4[%get3A_546, %get3A_547] {strides = array<i32>} : memref<256x128xf32, #tpu.memory_space<vmem>>, vector<16xf32>,
      %get3A_549 = arith.index_cast %scan3A_529 : i32 to index
      %get3A_550 = arith.constant 96 : index
      %get3A_551 = tpu.vector_load %arg4[%get3A_549, %get3A_550] {strides = array<i32>} : memref<256x128xf32, #tpu.memory_space<vmem>>, vector<16xf32>,
      %get3A_552 = arith.index_cast %scan3A_529 : i32 to index
      %get3A_553 = arith.constant 112 : index
      %get3A_554 = tpu.vector_load %arg4[%get3A_552, %get3A_553] {strides = array<i32>} : memref<256x128xf32, #tpu.memory_space<vmem>>, vector<16xf32>,
      tpu.vector_store_idx %arg5[%scan3A_530, %add3A_132], %get3A_533 : memref<512x128xf32, #tpu.memory_space<vmem>>[vector<16xi32>, vector<16xi32>], vector<16xf32>,
      tpu.vector_store_idx %arg5[%scan3A_530, %add3A_141], %get3A_536 : memref<512x128xf32, #tpu.memory_space<vmem>>[vector<16xi32>, vector<16xi32>], vector<16xf32>,
      tpu.vector_store_idx %arg5[%scan3A_530, %add3A_150], %get3A_539 : memref<512x128xf32, #tpu.memory_space<vmem>>[vector<16xi32>, vector<16xi32>], vector<16xf32>,
      tpu.vector_store_idx %arg5[%scan3A_530, %add3A_159], %get3A_542 : memref<512x128xf32, #tpu.memory_space<vmem>>[vector<16xi32>, vector<16xi32>], vector<16xf32>,
      tpu.vector_store_idx %arg5[%add3A_531, %add3A_132], %get3A_545 : memref<512x128xf32, #tpu.memory_space<vmem>>[vector<16xi32>, vector<16xi32>], vector<16xf32>,
      tpu.vector_store_idx %arg5[%add3A_531, %add3A_141], %get3A_548 : memref<512x128xf32, #tpu.memory_space<vmem>>[vector<16xi32>, vector<16xi32>], vector<16xf32>,
      tpu.vector_store_idx %arg5[%add3A_531, %add3A_150], %get3A_551 : memref<512x128xf32, #tpu.memory_space<vmem>>[vector<16xi32>, vector<16xi32>], vector<16xf32>,
      tpu.vector_store_idx %arg5[%add3A_531, %add3A_159], %get3A_554 : memref<512x128xf32, #tpu.memory_space<vmem>>[vector<16xi32>, vector<16xi32>], vector<16xf32>,
      tpu.vector_store_idx %arg5[%scan3A_530, %add3A_165], %broadcast_in_dim3A_184 : memref<512x128xf32, #tpu.memory_space<vmem>>[vector<16xi32>, vector<16xi32>], vector<16xf32>,
      tpu.vector_store_idx %arg5[%scan3A_530, %add3A_171], %broadcast_in_dim3A_184 : memref<512x128xf32, #tpu.memory_space<vmem>>[vector<16xi32>, vector<16xi32>], vector<16xf32>,
      tpu.vector_store_idx %arg5[%scan3A_530, %add3A_177], %broadcast_in_dim3A_184 : memref<512x128xf32, #tpu.memory_space<vmem>>[vector<16xi32>, vector<16xi32>], vector<16xf32>,
      tpu.vector_store_idx %arg5[%scan3A_530, %add3A_183], %broadcast_in_dim3A_184 : memref<512x128xf32, #tpu.memory_space<vmem>>[vector<16xi32>, vector<16xi32>], vector<16xf32>,
      tpu.vector_store_idx %arg5[%add3A_531, %add3A_165], %broadcast_in_dim3A_184 : memref<512x128xf32, #tpu.memory_space<vmem>>[vector<16xi32>, vector<16xi32>], vector<16xf32>,
      tpu.vector_store_idx %arg5[%add3A_531, %add3A_171], %broadcast_in_dim3A_184 : memref<512x128xf32, #tpu.memory_space<vmem>>[vector<16xi32>, vector<16xi32>], vector<16xf32>,
      tpu.vector_store_idx %arg5[%add3A_531, %add3A_177], %broadcast_in_dim3A_184 : memref<512x128xf32, #tpu.memory_space<vmem>>[vector<16xi32>, vector<16xi32>], vector<16xf32>,
      tpu.vector_store_idx %arg5[%add3A_531, %add3A_183], %broadcast_in_dim3A_184 : memref<512x128xf32, #tpu.memory_space<vmem>>[vector<16xi32>, vector<16xi32>], vector<16xf32>,
      %mul3A_555 = arith.constant 2 : i32
      %mul3A_556 = vector.broadcast %mul3A_555 : i32 to vector<16xi32>
      %mul3A_557 = arith.muli %mul3A_556, %broadcast_in_dim3A_186 : vector<16xi32>
      %add3A_558 = arith.addi %scan3A_530, %mul3A_557 : vector<16xi32>
      scf.yield %add3A_558 : vector<16xi32>
    }
    %scan3A_436 = arith.constant 16 : i32
    %add3A_437 = arith.constant 480 : i32
    %add3A_438 = arith.addi %mul3A_4, %add3A_437 : i32
    %dma_start3A_439 = arith.constant 480 : i32
    %dma_start3A_440 = arith.constant 0 : i32
    %dma_start3A_441 = tpu.memref_slice %arg5[%dma_start3A_439, %dma_start3A_440] : memref<512x128xf32, #tpu.memory_space<vmem>> -> memref<32x128xf32, #tpu.memory_space<vmem>>
    %dma_start3A_442 = arith.constant 0 : i32
    %dma_start3A_443 = tpu.memref_slice %arg3[%add3A_438, %dma_start3A_442] : memref<16384x128xf32, #tpu.memory_space<hbm>> -> memref<32x128xf32, #tpu.memory_space<hbm>>
    %dma_start3A_444 = arith.constant 0 : i32
    %dma_start3A_445 = tpu.memref_slice %arg3[%add3A_438, %dma_start3A_444] : memref<16384x128xf32, #tpu.memory_space<hbm>> -> memref<32x128xf32, #tpu.memory_space<hbm>>
    %dma_start3A_446 = arith.constant 480 : i32
    %dma_start3A_447 = arith.constant 0 : i32
    %dma_start3A_448 = tpu.memref_slice %arg5[%dma_start3A_446, %dma_start3A_447] : memref<512x128xf32, #tpu.memory_space<vmem>> -> memref<32x128xf32, #tpu.memory_space<vmem>>
    tpu.enqueue_dma source(%dma_start3A_448 : memref<32x128xf32, #tpu.memory_space<vmem>>) target(%dma_start3A_445 : memref<32x128xf32, #tpu.memory_space<hbm>>) target_semaphore(%arg7 : memref<!tpu.dma_semaphore, #tpu.memory_space<semaphore_mem>>)
    %dma_wait3A_449 = arith.constant 0 : i32
    %dma_wait3A_450 = arith.constant 0 : i32
    %dma_wait3A_451 = tpu.memref_slice %arg5[%dma_wait3A_449, %dma_wait3A_450] : memref<512x128xf32, #tpu.memory_space<vmem>> -> memref<32x128xf32, #tpu.memory_space<vmem>>
    %dma_wait3A_452 = arith.constant 0 : i32
    %dma_wait3A_453 = tpu.memref_slice %arg3[%add3A_207, %dma_wait3A_452] : memref<16384x128xf32, #tpu.memory_space<hbm>> -> memref<32x128xf32, #tpu.memory_space<hbm>>
    %dma_wait3A_454 = arith.constant 0 : i32
    %dma_wait3A_455 = tpu.memref_slice %arg3[%add3A_207, %dma_wait3A_454] : memref<16384x128xf32, #tpu.memory_space<hbm>> -> memref<32x128xf32, #tpu.memory_space<hbm>>
    %dma_wait3A_456 = arith.constant 0 : i32
    %dma_wait3A_457 = arith.constant 0 : i32
    %dma_wait3A_458 = tpu.memref_slice %arg5[%dma_wait3A_456, %dma_wait3A_457] : memref<512x128xf32, #tpu.memory_space<vmem>> -> memref<32x128xf32, #tpu.memory_space<vmem>>
    tpu.wait_dma2 semaphore(%arg7 : memref<!tpu.dma_semaphore, #tpu.memory_space<semaphore_mem>>) src(%dma_wait3A_458 : memref<32x128xf32, #tpu.memory_space<vmem>>) dst(%dma_wait3A_455 : memref<32x128xf32, #tpu.memory_space<hbm>>)
    %dma_wait3A_459 = arith.constant 32 : i32
    %dma_wait3A_460 = arith.constant 0 : i32
    %dma_wait3A_461 = tpu.memref_slice %arg5[%dma_wait3A_459, %dma_wait3A_460] : memref<512x128xf32, #tpu.memory_space<vmem>> -> memref<64x128xf32, #tpu.memory_space<vmem>>
    %dma_wait3A_462 = arith.constant 0 : i32
    %dma_wait3A_463 = tpu.memref_slice %arg3[%add3A_240, %dma_wait3A_462] : memref<16384x128xf32, #tpu.memory_space<hbm>> -> memref<64x128xf32, #tpu.memory_space<hbm>>
    %dma_wait3A_464 = arith.constant 0 : i32
    %dma_wait3A_465 = tpu.memref_slice %arg3[%add3A_240, %dma_wait3A_464] : memref<16384x128xf32, #tpu.memory_space<hbm>> -> memref<64x128xf32, #tpu.memory_space<hbm>>
    %dma_wait3A_466 = arith.constant 32 : i32
    %dma_wait3A_467 = arith.constant 0 : i32
    %dma_wait3A_468 = tpu.memref_slice %arg5[%dma_wait3A_466, %dma_wait3A_467] : memref<512x128xf32, #tpu.memory_space<vmem>> -> memref<64x128xf32, #tpu.memory_space<vmem>>
    tpu.wait_dma2 semaphore(%arg7 : memref<!tpu.dma_semaphore, #tpu.memory_space<semaphore_mem>>) src(%dma_wait3A_468 : memref<64x128xf32, #tpu.memory_space<vmem>>) dst(%dma_wait3A_465 : memref<64x128xf32, #tpu.memory_space<hbm>>)
    %dma_wait3A_469 = arith.constant 96 : i32
    %dma_wait3A_470 = arith.constant 0 : i32
    %dma_wait3A_471 = tpu.memref_slice %arg5[%dma_wait3A_469, %dma_wait3A_470] : memref<512x128xf32, #tpu.memory_space<vmem>> -> memref<64x128xf32, #tpu.memory_space<vmem>>
    %dma_wait3A_472 = arith.constant 0 : i32
    %dma_wait3A_473 = tpu.memref_slice %arg3[%add3A_273, %dma_wait3A_472] : memref<16384x128xf32, #tpu.memory_space<hbm>> -> memref<64x128xf32, #tpu.memory_space<hbm>>
    %dma_wait3A_474 = arith.constant 0 : i32
    %dma_wait3A_475 = tpu.memref_slice %arg3[%add3A_273, %dma_wait3A_474] : memref<16384x128xf32, #tpu.memory_space<hbm>> -> memref<64x128xf32, #tpu.memory_space<hbm>>
    %dma_wait3A_476 = arith.constant 96 : i32
    %dma_wait3A_477 = arith.constant 0 : i32
    %dma_wait3A_478 = tpu.memref_slice %arg5[%dma_wait3A_476, %dma_wait3A_477] : memref<512x128xf32, #tpu.memory_space<vmem>> -> memref<64x128xf32, #tpu.memory_space<vmem>>
    tpu.wait_dma2 semaphore(%arg7 : memref<!tpu.dma_semaphore, #tpu.memory_space<semaphore_mem>>) src(%dma_wait3A_478 : memref<64x128xf32, #tpu.memory_space<vmem>>) dst(%dma_wait3A_475 : memref<64x128xf32, #tpu.memory_space<hbm>>)
    %dma_wait3A_479 = arith.constant 160 : i32
    %dma_wait3A_480 = arith.constant 0 : i32
    %dma_wait3A_481 = tpu.memref_slice %arg5[%dma_wait3A_479, %dma_wait3A_480] : memref<512x128xf32, #tpu.memory_space<vmem>> -> memref<96x128xf32, #tpu.memory_space<vmem>>
    %dma_wait3A_482 = arith.constant 0 : i32
    %dma_wait3A_483 = tpu.memref_slice %arg3[%add3A_306, %dma_wait3A_482] : memref<16384x128xf32, #tpu.memory_space<hbm>> -> memref<96x128xf32, #tpu.memory_space<hbm>>
    %dma_wait3A_484 = arith.constant 0 : i32
    %dma_wait3A_485 = tpu.memref_slice %arg3[%add3A_306, %dma_wait3A_484] : memref<16384x128xf32, #tpu.memory_space<hbm>> -> memref<96x128xf32, #tpu.memory_space<hbm>>
    %dma_wait3A_486 = arith.constant 160 : i32
    %dma_wait3A_487 = arith.constant 0 : i32
    %dma_wait3A_488 = tpu.memref_slice %arg5[%dma_wait3A_486, %dma_wait3A_487] : memref<512x128xf32, #tpu.memory_space<vmem>> -> memref<96x128xf32, #tpu.memory_space<vmem>>
    tpu.wait_dma2 semaphore(%arg7 : memref<!tpu.dma_semaphore, #tpu.memory_space<semaphore_mem>>) src(%dma_wait3A_488 : memref<96x128xf32, #tpu.memory_space<vmem>>) dst(%dma_wait3A_485 : memref<96x128xf32, #tpu.memory_space<hbm>>)
    %dma_wait3A_489 = arith.constant 256 : i32
    %dma_wait3A_490 = arith.constant 0 : i32
    %dma_wait3A_491 = tpu.memref_slice %arg5[%dma_wait3A_489, %dma_wait3A_490] : memref<512x128xf32, #tpu.memory_space<vmem>> -> memref<96x128xf32, #tpu.memory_space<vmem>>
    %dma_wait3A_492 = arith.constant 0 : i32
    %dma_wait3A_493 = tpu.memref_slice %arg3[%add3A_339, %dma_wait3A_492] : memref<16384x128xf32, #tpu.memory_space<hbm>> -> memref<96x128xf32, #tpu.memory_space<hbm>>
    %dma_wait3A_494 = arith.constant 0 : i32
    %dma_wait3A_495 = tpu.memref_slice %arg3[%add3A_339, %dma_wait3A_494] : memref<16384x128xf32, #tpu.memory_space<hbm>> -> memref<96x128xf32, #tpu.memory_space<hbm>>
    %dma_wait3A_496 = arith.constant 256 : i32
    %dma_wait3A_497 = arith.constant 0 : i32
    %dma_wait3A_498 = tpu.memref_slice %arg5[%dma_wait3A_496, %dma_wait3A_497] : memref<512x128xf32, #tpu.memory_space<vmem>> -> memref<96x128xf32, #tpu.memory_space<vmem>>
    tpu.wait_dma2 semaphore(%arg7 : memref<!tpu.dma_semaphore, #tpu.memory_space<semaphore_mem>>) src(%dma_wait3A_498 : memref<96x128xf32, #tpu.memory_space<vmem>>) dst(%dma_wait3A_495 : memref<96x128xf32, #tpu.memory_space<hbm>>)
    %dma_wait3A_499 = arith.constant 352 : i32
    %dma_wait3A_500 = arith.constant 0 : i32
    %dma_wait3A_501 = tpu.memref_slice %arg5[%dma_wait3A_499, %dma_wait3A_500] : memref<512x128xf32, #tpu.memory_space<vmem>> -> memref<64x128xf32, #tpu.memory_space<vmem>>
    %dma_wait3A_502 = arith.constant 0 : i32
    %dma_wait3A_503 = tpu.memref_slice %arg3[%add3A_372, %dma_wait3A_502] : memref<16384x128xf32, #tpu.memory_space<hbm>> -> memref<64x128xf32, #tpu.memory_space<hbm>>
    %dma_wait3A_504 = arith.constant 0 : i32
    %dma_wait3A_505 = tpu.memref_slice %arg3[%add3A_372, %dma_wait3A_504] : memref<16384x128xf32, #tpu.memory_space<hbm>> -> memref<64x128xf32, #tpu.memory_space<hbm>>
    %dma_wait3A_506 = arith.constant 352 : i32
    %dma_wait3A_507 = arith.constant 0 : i32
    %dma_wait3A_508 = tpu.memref_slice %arg5[%dma_wait3A_506, %dma_wait3A_507] : memref<512x128xf32, #tpu.memory_space<vmem>> -> memref<64x128xf32, #tpu.memory_space<vmem>>
    tpu.wait_dma2 semaphore(%arg7 : memref<!tpu.dma_semaphore, #tpu.memory_space<semaphore_mem>>) src(%dma_wait3A_508 : memref<64x128xf32, #tpu.memory_space<vmem>>) dst(%dma_wait3A_505 : memref<64x128xf32, #tpu.memory_space<hbm>>)
    %dma_wait3A_509 = arith.constant 416 : i32
    %dma_wait3A_510 = arith.constant 0 : i32
    %dma_wait3A_511 = tpu.memref_slice %arg5[%dma_wait3A_509, %dma_wait3A_510] : memref<512x128xf32, #tpu.memory_space<vmem>> -> memref<64x128xf32, #tpu.memory_space<vmem>>
    %dma_wait3A_512 = arith.constant 0 : i32
    %dma_wait3A_513 = tpu.memref_slice %arg3[%add3A_405, %dma_wait3A_512] : memref<16384x128xf32, #tpu.memory_space<hbm>> -> memref<64x128xf32, #tpu.memory_space<hbm>>
    %dma_wait3A_514 = arith.constant 0 : i32
    %dma_wait3A_515 = tpu.memref_slice %arg3[%add3A_405, %dma_wait3A_514] : memref<16384x128xf32, #tpu.memory_space<hbm>> -> memref<64x128xf32, #tpu.memory_space<hbm>>
    %dma_wait3A_516 = arith.constant 416 : i32
    %dma_wait3A_517 = arith.constant 0 : i32
    %dma_wait3A_518 = tpu.memref_slice %arg5[%dma_wait3A_516, %dma_wait3A_517] : memref<512x128xf32, #tpu.memory_space<vmem>> -> memref<64x128xf32, #tpu.memory_space<vmem>>
    tpu.wait_dma2 semaphore(%arg7 : memref<!tpu.dma_semaphore, #tpu.memory_space<semaphore_mem>>) src(%dma_wait3A_518 : memref<64x128xf32, #tpu.memory_space<vmem>>) dst(%dma_wait3A_515 : memref<64x128xf32, #tpu.memory_space<hbm>>)
    %dma_wait3A_519 = arith.constant 480 : i32
    %dma_wait3A_520 = arith.constant 0 : i32
    %dma_wait3A_521 = tpu.memref_slice %arg5[%dma_wait3A_519, %dma_wait3A_520] : memref<512x128xf32, #tpu.memory_space<vmem>> -> memref<32x128xf32, #tpu.memory_space<vmem>>
    %dma_wait3A_522 = arith.constant 0 : i32
    %dma_wait3A_523 = tpu.memref_slice %arg3[%add3A_438, %dma_wait3A_522] : memref<16384x128xf32, #tpu.memory_space<hbm>> -> memref<32x128xf32, #tpu.memory_space<hbm>>
    %dma_wait3A_524 = arith.constant 0 : i32
    %dma_wait3A_525 = tpu.memref_slice %arg3[%add3A_438, %dma_wait3A_524] : memref<16384x128xf32, #tpu.memory_space<hbm>> -> memref<32x128xf32, #tpu.memory_space<hbm>>
    %dma_wait3A_526 = arith.constant 480 : i32
    %dma_wait3A_527 = arith.constant 0 : i32
    %dma_wait3A_528 = tpu.memref_slice %arg5[%dma_wait3A_526, %dma_wait3A_527] : memref<512x128xf32, #tpu.memory_space<vmem>> -> memref<32x128xf32, #tpu.memory_space<vmem>>
    tpu.wait_dma2 semaphore(%arg7 : memref<!tpu.dma_semaphore, #tpu.memory_space<semaphore_mem>>) src(%dma_wait3A_528 : memref<32x128xf32, #tpu.memory_space<vmem>>) dst(%dma_wait3A_525 : memref<32x128xf32, #tpu.memory_space<hbm>>)
    return
  }
}

</mosaic_0001>

<sc_bundles>
// kernel: kernel.3.cloned.1.call-start
scs
__scs_entry_jumppad:
0x0: {  	(pc) =	sbr.rel $0x88, $3  }
0x1: {  	(tag) =	ssettag $0x0;
	lr =	simm.s32 $0x1  }
0x2: {  	[smem:$0x3FA0] =	sst lr;
	_ =	strace $0xD0000000  }
0x3: {  	_ = 	snop  }
0x4: {  	_ = 	snop  }
0x5: {  	_ = 	snop  }
0x6: {  	_ = 	snop  }
0x7: {  	_ = 	snop  }
__scs_overlays_trampoline_lowered:
0x8: {  	[smem:$0x3FAF] =	sst s0  }
0x9: {  	[smem:$0x3FB0] =	sst s1  }
0xa: {  	[smem:$0x3FB1] =	sst s2  }
0xb: {  	[smem:$0x3FB2] =	sst s3  }
0xc: {  	[smem:$0x3FB3] =	sst s4  }
0xd: {  	[smem:$0x3FB4] =	sst s5  }
0xe: {  	[smem:$0x3FB5] =	sst s6  }
0xf: {  	[smem:$0x3FB6] =	sst s7  }
0x10: {  	[smem:$0x3FB7] =	sst s8  }
0x11: {  	[smem:$0x3FB8] =	sst s9;
	s0 =	simm.s32 @!p0 $0x0  }
0x12: {  	s1 =	sld [smem:$0x3F9E];
	s0 =	simm.s32 @p0 $0x1  }
0x13: {  	[smem:$0x3FB9] =	sst s0;
	s0 =	simm.s32 @!p1 $0x0  }
0x14: {  	s2 =	sld [smem:$0x3F9D];
	s0 =	simm.s32 @p1 $0x1  }
0x15: {  	[smem:$0x3FBA] =	sst s0;
	s0 =	simm.s32 @!p2 $0x0  }
0x16: {  	s3 =	sld [smem:$0x3FDB];
	s0 =	simm.s32 @p2 $0x1  }
0x17: {  	s4 =	simm.s32 $0x1BF5;
	[smem:$0x3FBC] =	sst s0  }
0x18: {  	s0 =	sld [smem:$0x3F9F];
	_ =	swait.ge [sflag:s4], $0x0  }
0x19: {  	s7 =	sld [smem:$0x3FA0]  }
0x1a: {  	s8 =	sadd.s32 $0xFFFFE003, lr  }
0x1b: {  	s9 =	sadd.s32 $0xFFFFFEF7, lr;
	s5 =	simm.s32 $0xFFFFFFFF;
	p2 =	slt.u32 s8, $0xFFFFF086  }
0x1c: {  	p1 =	slt.u32 s9, $0xF7A;
	s5 =	simm.s32 @!p2 $0x0  }
0x1d: {  	s5 =	simm.s32 @p1 $0x1;
	p0 =	seq.s32 s7, s2  }
0x1e: {  	s7 =	smul.u32 @!p0 $0xF7A, s2;
	p2 =	seq.s32 @!p0 s5, $0x0  }
0x1f: {  	s9 =	smul.u32 $0xF7A, s1;
	s8 =	simm.s32 @!p0 $0x1BF5;
	p2 =	por !p2, p0  }
0x20: {  	[sflag:s8] =	ssyncset.s32 @!p0 $0xFFFFF086;
	s6 =	sadd.s32 @!p0 s3, s7;
	s7 =	simm.s32 @!p0 $0x108  }
0x21: {  	s3 =	sadd.s32 s3, s9;
	s6 =	sadd.s32 @!p0 $0x88, s6;
	s7 =	simm.s32 @p2 $0x1082  }
0x22: {  	[simem:s7], [sflag:s8] =	dma.local @!p0 [hbm:s6], $0xF7A  }
0x23: {  	s9 =	sor.u32 $0xD0000000, s2;
	s6 =	simm.s32 $0x108;
	_ =	swait.ge @!p0 [sflag:s8], $0x0  }
0x24: {  	s3 =	sadd.s32 $0x88, s3;
	s6 =	simm.s32 @!p1 $0x1082;
	[sflag:s4] =	ssyncset.s32 $0xFFFFF086  }
0x25: {  	[simem:s6], [sflag:s4] =	dma.local [hbm:s3], $0xF7A  }
0x26: {  	[smem:$0x3FA0] =	sst s1;
	(tag) =	ssettag s2;
	_ =	strace s9  }
0x27: {  	s1 =	sld [smem:$0x3FB0]  }
0x28: {  	s2 =	sld [smem:$0x3FB1]  }
0x29: {  	s4 =	sld [smem:$0x3FB3]  }
0x2a: {  	p0 =	seq.s32 s5, $0x0;
	s5 =	sld [smem:$0x3FB4]  }
0x2b: {  	s6 =	sld [smem:$0x3FB5]  }
0x2c: {  	s7 =	sld [smem:$0x3FB6]  }
0x2d: {  	s3 =	simm.s32 $0x108;
	s8 =	sld [smem:$0x3FB7]  }
0x2e: {  	s3 =	simm.s32 @!p0 $0x1082;
	s9 =	sld [smem:$0x3FB8]  }
0x2f: {  	lr =	sadd.s32 s0, s3;
	s0 =	sld [smem:$0x3FAF]  }
0x30: {  	s3 =	sld [smem:$0x3FB2]  }
0x31: {  	[smem:$0x3FBB] =	sst s10  }
0x32: {  	s10 =	sld [smem:$0x3FB9];
	_ =	sdelay $0x3  }
0x33: {  	p0 =	seq.s32 s10, $0x1;
	s10 =	sld [smem:$0x3FBB];
	_ =	sdelay $0x3  }
0x34: {  	[smem:$0x3FBB] =	sst s10  }
0x35: {  	s10 =	sld [smem:$0x3FBA];
	_ =	sdelay $0x3  }
0x36: {  	p1 =	seq.s32 s10, $0x1;
	s10 =	sld [smem:$0x3FBB];
	_ =	sdelay $0x3  }
0x37: {  	[smem:$0x3FBB] =	sst s10  }
0x38: {  	s10 =	sld [smem:$0x3FBC]  }
0x39: {  	_ = 	snop;
	(pc) =	sbr.ind lr, $3  }
0x3a: {  	_ = 	snop  }
0x3b: {  	_ = 	snop  }
0x3c: {  	p2 =	seq.s32 s10, $0x1;
	s10 =	sld [smem:$0x3FBB]  }
0x3d: {  	_ =	shalt  }
0x3e: {  	_ =	shalt  }
0x3f: {  	_ =	shalt  }
0x40: {  	_ =	shalt  }
0x41: {  	_ =	shalt  }
0x42: {  	_ =	shalt  }
0x43: {  	_ =	shalt  }
0x44: {  	_ =	shalt  }
0x45: {  	_ =	shalt  }
0x46: {  	_ =	shalt  }
0x47: {  	_ =	shalt  }
0x48: {  	_ =	shalt  }
0x49: {  	_ =	shalt  }
0x4a: {  	_ =	shalt  }
0x4b: {  	_ =	shalt  }
0x4c: {  	_ =	shalt  }
0x4d: {  	_ =	shalt  }
0x4e: {  	_ =	shalt  }
0x4f: {  	_ =	shalt  }
0x50: {  	_ =	shalt  }
0x51: {  	_ =	shalt  }
0x52: {  	_ =	shalt  }
0x53: {  	_ =	shalt  }
0x54: {  	_ =	shalt  }
0x55: {  	_ =	shalt  }
0x56: {  	_ =	shalt  }
0x57: {  	_ =	shalt  }
0x58: {  	_ =	shalt  }
0x59: {  	_ =	shalt  }
0x5a: {  	_ =	shalt  }
0x5b: {  	_ =	shalt  }
0x5c: {  	_ =	shalt  }
0x5d: {  	_ =	shalt  }
0x5e: {  	_ =	shalt  }
0x5f: {  	_ =	shalt  }
0x60: {  	_ =	shalt  }
0x61: {  	_ =	shalt  }
0x62: {  	_ =	shalt  }
0x63: {  	_ =	shalt  }
0x64: {  	_ =	shalt  }
0x65: {  	_ =	shalt  }
0x66: {  	_ =	shalt  }
0x67: {  	_ =	shalt  }
0x68: {  	_ =	shalt  }
0x69: {  	_ =	shalt  }
0x6a: {  	_ =	shalt  }
0x6b: {  	_ =	shalt  }
0x6c: {  	_ =	shalt  }
0x6d: {  	_ =	shalt  }
0x6e: {  	_ =	shalt  }
0x6f: {  	_ =	shalt  }
0x70: {  	_ =	shalt  }
0x71: {  	_ =	shalt  }
0x72: {  	_ =	shalt  }
0x73: {  	_ =	shalt  }
0x74: {  	_ =	shalt  }
0x75: {  	_ =	shalt  }
0x76: {  	_ =	shalt  }
0x77: {  	_ =	shalt  }
0x78: {  	_ =	shalt  }
0x79: {  	_ =	shalt  }
0x7a: {  	_ =	shalt  }
0x7b: {  	_ =	shalt  }
0x7c: {  	_ =	shalt  }
0x7d: {  	_ =	shalt  }
0x7e: {  	_ =	shalt  }
0x7f: {  	_ =	shalt  }
0x80: {  	_ =	shalt  }
0x81: {  	_ =	shalt  }
0x82: {  	_ =	shalt  }
0x83: {  	_ =	shalt  }
0x84: {  	_ =	shalt  }
0x85: {  	_ =	shalt  }
0x86: {  	_ =	shalt  }
0x87: {  	_ =	shalt  }
.Lfunc_end0:
.L_simem_size_0:
called_computation_lowered:
.L_overlay_start_0:
0x88: {  	s2 =	sld [smem:$0x3FD9]  }
0x89: {  	s3 =	sld [smem:$0x3FFE];
	_ =	sdelay $0x1  }
0x8a: {  	s1 =	srdreg.scid  }
0x8b: {  	s0 =	sand.u32 $0x1, s1  }
0x8c: {  	s18 =	sshll.u32 s0, $0xA;
	s2 =	sadd.s32 s3, s2  }
0x8d: {  	s2 =	sadd.s32 s2, s18  }
0x8e: {  	[smem:$0x3FC7] =	sst s2  }
0x8f: {  	_ = 	snop  }
0x90: {  	s2 =	sld [smem:$0x3FC9]  }
0x91: {  	s19 =	sld [smem:$0x3FD0];
	(tm) =	ssettm $0x1  }
0x92: {  	s4 =	sld [smem:$0x3FFB];
	_ =	sdelay $0x3  }
0x93: {  	_ =	strace s4  }
0x94: {  	s4 =	sld [smem:$0x3FFC];
	_ =	sdelay $0x3  }
0x95: {  	_ =	strace s4  }
0x96: {  	s4 =	sld [smem:$0x3FFD];
	_ =	sdelay $0x3  }
0x97: {  	_ =	strace s4  }
0x98: {  	_ =	strace $0x8FFFFFFF  }
0x99: {  	s20 =	sld [smem:$0x3FDB];
	_ =	sdelay $0x1  }
0x9a: {  	s5 =	simm.s32 $_scs_section_size  }
0x9b: {  	s6 =	simm.s32 $_size__tile_overlayer_lowered;
	s7 =	simm.s32 $_tile_overlayer_lowered  }
0x9c: {  	s23 =	simm.s32 $0x1BFF;
	s22 =	sshll.u32 s7, $0x1;
	s4 =	sadd.s32 s5, s20  }
0x9d: {  	s8 =	simm.s32 $0x0;
	s21 =	sshll.u32 s6, $0x1;
	s6 =	sadd.s32 s22, s4  }
0x9e: {  	[timem:s8], [sflag:s23] =	dma.local [hbm:s6], s21  }
0x9f: {  	_ =	swait.ge [sflag:s23], s21  }
0xa0: {  	s5 =	ssub.s32 $0x0, s21;
	[sflag:s23] =	ssyncset.done $0x0  }
0xa1: {  	[sflag:s23] =	ssyncadd.s32 s5;
	_ =	sdelay $0x1  }
0xa2: {  	s24 =	simm.s32 $0x1B8B  }
0xa3: {  	_ =	swait.ge [sflag:s24], $0x1  }
0xa4: {  	[sflag:s24] =	ssyncset.done $0x0  }
0xa5: {  	s25 =	simm.s32 $0x1B8E;
	[sflag:s24] =	ssyncadd.s32 $0xFFFFFFFF  }
0xa6: {  	s26 =	simm.s32 $execute0_lowered;
	[smem:$0x3FD2] =	sst s25  }
0xa7: {  	s5 =	sshll.u32 s26, $0x1;
	_ =	strace $0x80000046;
	[dreg:$0x1] =	wrdreg $0xFFFFFFFF  }
0xa8: {  	s28 =	simm.s32 $_size_execute0_lowered;
	s4 =	sadd.s32 s4, s5;
	[dreg:$0x0] =	wrdreg $0x0  }
0xa9: {  	s5 =	sshll.u32 s28, $0x1;
	[dreg:$0x2] =	wrdreg s4  }
0xaa: {  	[dreg:$0x3] =	wrdreg s5  }
0xab: {  	[dreg:$0x4] =	wrdreg $0xC0  }
0xac: {  	_ =	task [dreg:s8], $0x5FFFF  }
0xad: {  	[dreg:$0x1] =	wrdreg $0xFFFFFFFF  }
0xae: {  	[dreg:$0x0] =	wrdreg $0x60  }
0xaf: {  	[dreg:$0x2] =	wrdreg s2  }
0xb0: {  	[dreg:$0x3] =	wrdreg s19  }
0xb1: {  	[dreg:$0x4] =	wrdreg $0x9  }
0xb2: {  	_ =	task.clear_ibuf [dreg:s8], $0x5FFFF;
	_ =	strace $0x90000046  }
0xb3: {  	s29 =	simm.s32 $0x9;
	_ =	strace $0x80000048  }
0xb4: {  	_ =	swait.ge [sflag:s29], $0x1  }
0xb5: {  	[sflag:s29] =	ssyncadd.s32 $0xFFFFFFFF  }
0xb6: {  	_ =	strace $0x90000048  }
0xb7: {  	_ =	sfence  }
0xb8: {  	s30 =	sld [smem:$0x0];
	_ =	sdelay $0x2  }
0xb9: {  	s31 =	sshll.u32 s1, $0xD;
	s1 =	sshrl.u32 s1, $0x2  }
0xba: {  	s3 =	sand.u32 $0x4000, s31;
	s1 =	sadd.s32 s1, s30  }
0xbb: {  	s0 =	sor.u32 s3, s0;
	s1 =	sshll.u32 s1, $0x11  }
0xbc: {  	s0 =	sor.u32 s1, s0  }
0xbd: {  	s0 =	sadd.s32 $0x8F2B, s0  }
0xbe: {  	[sflag:s0] =	ssyncadd.remote.s32 $0x1  }
0xbf: {  	_ =	sfence.sel $0xFFFF  }
0xc0: {  	[dreg:$0x0] =	wrdreg $0xFFFFFFFF;
	(pc) =	sbr.abs _section_cstart, $3  }
0xc1: {  	[dreg:$0x1] =	wrdreg $0xFFFFFFFF  }
0xc2: {  	_ =	task.clear_ibuf [dreg:s8], $0x2FFFF;
	_ =	strace $0x9FFFFFFF  }
0xc3: {  	(tm) =	ssettm $0x7FFFFFFF  }
tec
execute0_lowered:
.L_overlay_start_1:
0x0: {  	(tag) =	ssettag $0x1  }
0x1: {  	s0 =	rddreg [dreg:$0x0]  }
0x2: {  	s1 =	rddreg [dreg:$0x1]  }
0x3: {  	s2 =	srdreg.scid;
	s4 =	stileid.u32  }
0x4: {  	s28 =	simm.s32 $0x1;
	s29 =	simm.s32 $0x8000;
	s30 =	simm.s32 $0x2  }
0x5: {  	s20 =	simm.s32 $0x4;
	s22 =	simm.s32 $0x5;
	s24 =	simm.s32 $0x6  }
0x6: {  	s23 =	simm.s32 $0x9;
	s25 =	simm.s32 $0x0;
	s3 =	sand.u32 $0x1, s2  }
0x7: {  	s4 =	sshll.u32 s4, $0x1;
	s2 =	simm.s32 $0x0;
	s5 =	ssub.s32 $0x2, s3  }
0x8: {  	s9 =	sor.u32 s3, s4;
	[smem:$0x7FF] =	sst s2;
	s26 =	sshrl.u32 s5, $0x1  }
0x9: {  	v0 =	vlaneseq.u32;
	s4 =	sshll.u32 s9, $0xC;
	_ =	strace $0x80000047;
	s31 =	sshll.u32 s9, $0xD  }
0xa: {  	v0 =	vmul.u32 $0x2, v0;
	s19 =	ssub.s32 s5, s26;
	s3 =	sadd.s32 s0, s4;
	s11 =	sadd.s32 s1, s31  }
0xb: {  	v9 =	vimm.f32 $NaN;
	s0 =	simm.s32 $0x3;
	s26 =	simm.s32 $0x7;
	s1 =	simm.s32 $0x8  }
0xc: {  	v1 =	vor.u32 $0x1, v0;
	v2 =	vor.u32 $0x21, v0;
	v3 =	vor.u32 $0x41, v0;
	s4 =	sadd.s32 $0x100, s3;
	s5 =	sadd.s32 $0x300, s3;
	s6 =	sadd.s32 $0x500, s3  }
0xd: {  	v4 =	vor.u32 $0x61, v0;
	v5 =	vor.u32 $0x81, v0;
	v6 =	vor.u32 $0xA1, v0;
	s7 =	sadd.s32 $0x800, s3;
	s8 =	sadd.s32 $0xB00, s3;
	s9 =	sadd.s32 $0xD00, s3  }
0xe: {  	v7 =	vor.u32 $0xC1, v0;
	v8 =	vor.u32 $0xE1, v0;
	v10 =	vor.u32 $0x20, v0;
	s10 =	sadd.s32 $0xF00, s3;
	s12 =	sadd.s32 $0x200, s11;
	s13 =	sadd.s32 $0x600, s11  }
0xf: {  	v11 =	vor.u32 $0x40, v0;
	v12 =	vor.u32 $0x60, v0;
	v13 =	vor.u32 $0x80, v0;
	s14 =	sadd.s32 $0xA00, s11;
	s15 =	sadd.s32 $0x1000, s11;
	s16 =	sadd.s32 $0x1600, s11  }
0x10: {  	v14 =	vor.u32 $0xA0, v0;
	v15 =	vor.u32 $0xC0, v0;
	v16 =	vor.u32 $0xE0, v0;
	s17 =	sadd.s32 $0x1A00, s11;
	s18 =	sadd.s32 $0x1E00, s11;
	s19 =	smax.u32 s19, $0x1  }
.LBB2_1:
0x11: {  	[tilespmem:s2], [sflag:$0x1] =	stream.linear.gather [hbm4b:s3+s2], $0x800, $0x38;
	[tilespmem:$0x18000] =	vst v63  }
0x12: {  	s21 =	simm.s32 $0x800  }
0x13: {  	[tilespmem:s21], [sflag:$0x2] =	stream.linear.gather [hbm4b:s4+s2], $0x1000, $0x38;
	[tilespmem:$0x18000] =	vst v63  }
0x14: {  	s21 =	simm.s32 $0x1800  }
0x15: {  	[tilespmem:s21], [sflag:$0x3] =	stream.linear.gather [hbm4b:s5+s2], $0x1000, $0x38;
	[tilespmem:$0x18000] =	vst v63  }
0x16: {  	s21 =	simm.s32 $0x2800  }
0x17: {  	[tilespmem:s21], [sflag:$0x4] =	stream.linear.gather [hbm4b:s6+s2], $0x1800, $0x38;
	[tilespmem:$0x18000] =	vst v63  }
0x18: {  	s21 =	simm.s32 $0x4000  }
0x19: {  	[tilespmem:s21], [sflag:$0x5] =	stream.linear.gather [hbm4b:s7+s2], $0x1800, $0x38;
	[tilespmem:$0x18000] =	vst v63  }
0x1a: {  	s21 =	simm.s32 $0x5800  }
0x1b: {  	[tilespmem:s21], [sflag:$0x6] =	stream.linear.gather [hbm4b:s8+s2], $0x1000, $0x38;
	[tilespmem:$0x18000] =	vst v63  }
0x1c: {  	s21 =	simm.s32 $0x6800  }
0x1d: {  	[tilespmem:s21], [sflag:$0x7] =	stream.linear.gather [hbm4b:s9+s2], $0x1000, $0x38;
	[tilespmem:$0x18000] =	vst v63  }
0x1e: {  	s21 =	simm.s32 $0x7800  }
0x1f: {  	[tilespmem:s21], [sflag:$0x8] =	stream.linear.gather [hbm4b:s10+s2], $0x800, $0x38;
	[tilespmem:$0x18000] =	vst v63  }
0x20: {  	_ =	swait.ge [sflag:s28], $0x800  }
0x21: {  	[sflag:s28] =	ssyncset.done $0x0  }
0x22: {  	s31 =	simm.s32 $0x0;
	[sflag:s28] =	ssyncadd.s32 $0xFFFFF800  }
0x23: {  	v17 =	vimm.s32 $0x0;
	v18 =	vld [tilespmem:s31+$0x50]  }
0x24: {  	v20 =	vshll.u32 v17, $0x7;
	v19 =	vld [tilespmem:s31+$0x20]  }
0x25: {  	v22 =	vor.u32 v1, v20;
	v23 =	vld [tilespmem:s31+$0x0]  }
0x26: {  	v24 =	vor.u32 v2, v20;
	v21 =	vld [tilespmem:s31+$0x10]  }
0x27: {  	v26 =	vor.u32 v3, v20;
	v25 =	vld [tilespmem:s31+$0x30]  }
0x28: {  	v28 =	vor.u32 v4, v20;
	v27 =	vld [tilespmem:s31+$0x40]  }
0x29: {  	v30 =	vor.u32 v5, v20;
	v29 =	vld [tilespmem:s31+$0x70]  }
0x2a: {  	v32 =	vor.u32 v6, v20;
	v31 =	vld [tilespmem:s31+$0x60];
	[tilespmem:v22+s29+$0x0] =	vst.idx.msk $0xffff, v23  }
0x2b: {  	v22 =	vor.u32 v7, v20;
	[tilespmem:v24+s29+$0x0] =	vst.idx.msk $0xffff, v21  }
0x2c: {  	v21 =	vor.u32 v8, v20;
	[tilespmem:v26+s29+$0x0] =	vst.idx.msk $0xffff, v19  }
0x2d: {  	v19 =	vor.u32 v0, v20;
	[tilespmem:v28+s29+$0x0] =	vst.idx.msk $0xffff, v25  }
0x2e: {  	[tilespmem:v30+s29+$0x0] =	vst.idx.msk $0xffff, v27  }
0x2f: {  	v23 =	vor.u32 v10, v20;
	[tilespmem:v32+s29+$0x0] =	vst.idx.msk $0xffff, v18  }
0x30: {  	v62 =	vor.u32 v11, v20;
	[tilespmem:v22+s29+$0x0] =	vst.idx.msk $0xffff, v31  }
0x31: {  	v63 =	vor.u32 v12, v20;
	[tilespmem:v21+s29+$0x0] =	vst.idx.msk $0xffff, v29  }
0x32: {  	[tilespmem:v19+s29+$0x0] =	vst.idx.msk $0xffff, v9;
	v19 =	vor.u32 v13, v20  }
0x33: {  	v18 =	vor.u32 v14, v20  }
0x34: {  	v21 =	vor.u32 v15, v20;
	[tilespmem:v23+s29+$0x0] =	vst.idx.msk $0xffff, v9  }
0x35: {  	v20 =	vor.u32 v16, v20;
	[tilespmem:v62+s29+$0x0] =	vst.idx.msk $0xffff, v9  }
0x36: {  	s31 =	simm.s32 $0x200;
	[tilespmem:v63+s29+$0x0] =	vst.idx.msk $0xffff, v9  }
.LBB2_2:
0x37: {  	p0 =	sne.s32 s31, $0x1E00;
	[tilespmem:v19+s29+$0x0] =	vst.idx.msk $0xffff, v9;
	v17 =	vadd.s32 $0x2, v17;
	s21 =	smov.u32 s31;
	s31 =	sadd.s32 $0x200, s31  }
0x38: {  	[tilespmem:v18+s29+$0x0] =	vst.idx.msk $0xffff, v9  }
0x39: {  	[tilespmem:v21+s29+$0x0] =	vst.idx.msk $0xffff, v9  }
0x3a: {  	s21 =	sshra.s32 s21, $0x2;
	v22 =	vshll.u32 v17, $0x7;
	[tilespmem:v20+s29+$0x0] =	vst.idx.msk $0xffff, v9  }
0x3b: {  	v19 =	vor.u32 v1, v22;
	v20 =	vor.u32 v3, v22;
	v18 =	vld [tilespmem:s21+$0x50]  }
0x3c: {  	v23 =	vor.u32 v2, v22;
	v21 =	vld [tilespmem:s21+$0x20]  }
0x3d: {  	v24 =	vld [tilespmem:s21+$0x10]  }
0x3e: {  	v26 =	vor.u32 v4, v22;
	v25 =	vld [tilespmem:s21+$0x0]  }
0x3f: {  	v28 =	vor.u32 v5, v22;
	v27 =	vld [tilespmem:s21+$0x30]  }
0x40: {  	v29 =	vld [tilespmem:s21+$0x40]  }
0x41: {  	v30 =	vld [tilespmem:s21+$0x70]  }
0x42: {  	v32 =	vor.u32 v6, v22;
	v31 =	vld [tilespmem:s21+$0x60]  }
0x43: {  	[tilespmem:v19+s29+$0x0] =	vst.idx.msk $0xffff, v25;
	v19 =	vor.u32 v7, v22  }
0x44: {  	[tilespmem:v23+s29+$0x0] =	vst.idx.msk $0xffff, v24;
	v23 =	vor.u32 v8, v22  }
0x45: {  	[tilespmem:v20+s29+$0x0] =	vst.idx.msk $0xffff, v21;
	v20 =	vor.u32 v0, v22  }
0x46: {  	v24 =	vor.u32 v10, v22;
	[tilespmem:v26+s29+$0x0] =	vst.idx.msk $0xffff, v27  }
0x47: {  	v25 =	vor.u32 v11, v22;
	[tilespmem:v28+s29+$0x0] =	vst.idx.msk $0xffff, v29  }
0x48: {  	v26 =	vor.u32 v12, v22;
	[tilespmem:v32+s29+$0x0] =	vst.idx.msk $0xffff, v18  }
0x49: {  	[tilespmem:v19+s29+$0x0] =	vst.idx.msk $0xffff, v31;
	v19 =	vor.u32 v13, v22  }
.Ltmp0:
0x4a: {  	v18 =	vor.u32 v14, v22;
	[tilespmem:v23+s29+$0x0] =	vst.idx.msk $0xffff, v30;
	(pc) =	sbr.rel @p0 .LBB2_2-.Ltmp0, $4  }
0x4b: {  	v21 =	vor.u32 v15, v22;
	[tilespmem:v20+s29+$0x0] =	vst.idx.msk $0xffff, v9  }
0x4c: {  	v20 =	vor.u32 v16, v22;
	[tilespmem:v24+s29+$0x0] =	vst.idx.msk $0xffff, v9  }
0x4d: {  	[tilespmem:v25+s29+$0x0] =	vst.idx.msk $0xffff, v9  }
0x4e: {  	[tilespmem:v26+s29+$0x0] =	vst.idx.msk $0xffff, v9  }
0x4f: {  	_ =	sdelay $0x3  }
0x50: {  	[tilespmem:v19+s29+$0x0] =	vst.idx.msk $0xffff, v9  }
0x51: {  	[tilespmem:v18+s29+$0x0] =	vst.idx.msk $0xffff, v9  }
0x52: {  	[tilespmem:v21+s29+$0x0] =	vst.idx.msk $0xffff, v9  }
0x53: {  	s21 =	simm.s32 $0x0;
	[tilespmem:v20+s29+$0x0] =	vst.idx.msk $0xffff, v9  }
0x54: {  	[hbm4b:s11+s21] =	stream.linear.scatter [tilespmem:s29], [sflag:$0x9], $0x1000, $0x38;
	[tilespmem:$0x18000] =	vst v63  }
0x55: {  	_ =	swait.ge [sflag:s30], $0x1000  }
0x56: {  	[sflag:s30] =	ssyncset.done $0x0  }
0x57: {  	s21 =	simm.s32 $0x0;
	[sflag:s30] =	ssyncadd.s32 $0xFFFFF000  }
0x58: {  	v17 =	vimm.s32 $0x20;
	v18 =	vld [tilespmem:s21+$0x850]  }
0x59: {  	v20 =	vshll.u32 v17, $0x7;
	v19 =	vld [tilespmem:s21+$0x820]  }
0x5a: {  	v22 =	vor.u32 v1, v20;
	v23 =	vld [tilespmem:s21+$0x800]  }
0x5b: {  	v24 =	vor.u32 v2, v20;
	v21 =	vld [tilespmem:s21+$0x810]  }
0x5c: {  	v26 =	vor.u32 v3, v20;
	v25 =	vld [tilespmem:s21+$0x830]  }
0x5d: {  	v28 =	vor.u32 v4, v20;
	v27 =	vld [tilespmem:s21+$0x840]  }
0x5e: {  	v30 =	vor.u32 v5, v20;
	v29 =	vld [tilespmem:s21+$0x870]  }
0x5f: {  	v32 =	vor.u32 v6, v20;
	v31 =	vld [tilespmem:s21+$0x860];
	[tilespmem:v22+s29+$0x0] =	vst.idx.msk $0xffff, v23  }
0x60: {  	v22 =	vor.u32 v7, v20;
	[tilespmem:v24+s29+$0x0] =	vst.idx.msk $0xffff, v21  }
0x61: {  	v21 =	vor.u32 v8, v20;
	[tilespmem:v26+s29+$0x0] =	vst.idx.msk $0xffff, v19  }
0x62: {  	v19 =	vor.u32 v0, v20;
	[tilespmem:v28+s29+$0x0] =	vst.idx.msk $0xffff, v25  }
0x63: {  	[tilespmem:v30+s29+$0x0] =	vst.idx.msk $0xffff, v27  }
0x64: {  	v23 =	vor.u32 v10, v20;
	[tilespmem:v32+s29+$0x0] =	vst.idx.msk $0xffff, v18  }
0x65: {  	v62 =	vor.u32 v11, v20;
	[tilespmem:v22+s29+$0x0] =	vst.idx.msk $0xffff, v31  }
0x66: {  	v63 =	vor.u32 v12, v20;
	[tilespmem:v21+s29+$0x0] =	vst.idx.msk $0xffff, v29  }
0x67: {  	[tilespmem:v19+s29+$0x0] =	vst.idx.msk $0xffff, v9;
	v19 =	vor.u32 v13, v20  }
0x68: {  	v18 =	vor.u32 v14, v20  }
0x69: {  	v21 =	vor.u32 v15, v20;
	[tilespmem:v23+s29+$0x0] =	vst.idx.msk $0xffff, v9  }
0x6a: {  	v20 =	vor.u32 v16, v20;
	[tilespmem:v62+s29+$0x0] =	vst.idx.msk $0xffff, v9  }
0x6b: {  	s31 =	simm.s32 $0x200;
	[tilespmem:v63+s29+$0x0] =	vst.idx.msk $0xffff, v9  }
.LBB2_4:
0x6c: {  	p0 =	sne.s32 s31, $0x3E00;
	[tilespmem:v19+s29+$0x0] =	vst.idx.msk $0xffff, v9;
	v17 =	vadd.s32 $0x2, v17;
	s21 =	smov.u32 s31;
	s31 =	sadd.s32 $0x200, s31  }
0x6d: {  	[tilespmem:v18+s29+$0x0] =	vst.idx.msk $0xffff, v9  }
0x6e: {  	[tilespmem:v21+s29+$0x0] =	vst.idx.msk $0xffff, v9  }
0x6f: {  	s21 =	sshra.s32 s21, $0x2;
	v22 =	vshll.u32 v17, $0x7;
	[tilespmem:v20+s29+$0x0] =	vst.idx.msk $0xffff, v9  }
0x70: {  	v19 =	vor.u32 v1, v22;
	v20 =	vor.u32 v3, v22;
	v18 =	vld [tilespmem:s21+$0x850]  }
0x71: {  	v23 =	vor.u32 v2, v22;
	v21 =	vld [tilespmem:s21+$0x820]  }
0x72: {  	v24 =	vld [tilespmem:s21+$0x810]  }
0x73: {  	v26 =	vor.u32 v4, v22;
	v25 =	vld [tilespmem:s21+$0x800]  }
0x74: {  	v28 =	vor.u32 v5, v22;
	v27 =	vld [tilespmem:s21+$0x830]  }
0x75: {  	v29 =	vld [tilespmem:s21+$0x840]  }
0x76: {  	v30 =	vld [tilespmem:s21+$0x870]  }
0x77: {  	v32 =	vor.u32 v6, v22;
	v31 =	vld [tilespmem:s21+$0x860]  }
0x78: {  	[tilespmem:v19+s29+$0x0] =	vst.idx.msk $0xffff, v25;
	v19 =	vor.u32 v7, v22  }
0x79: {  	[tilespmem:v23+s29+$0x0] =	vst.idx.msk $0xffff, v24;
	v23 =	vor.u32 v8, v22  }
0x7a: {  	[tilespmem:v20+s29+$0x0] =	vst.idx.msk $0xffff, v21;
	v20 =	vor.u32 v0, v22  }
0x7b: {  	v24 =	vor.u32 v10, v22;
	[tilespmem:v26+s29+$0x0] =	vst.idx.msk $0xffff, v27  }
0x7c: {  	v25 =	vor.u32 v11, v22;
	[tilespmem:v28+s29+$0x0] =	vst.idx.msk $0xffff, v29  }
0x7d: {  	v26 =	vor.u32 v12, v22;
	[tilespmem:v32+s29+$0x0] =	vst.idx.msk $0xffff, v18  }
0x7e: {  	[tilespmem:v19+s29+$0x0] =	vst.idx.msk $0xffff, v31;
	v19 =	vor.u32 v13, v22  }
.Ltmp1:
0x7f: {  	v18 =	vor.u32 v14, v22;
	[tilespmem:v23+s29+$0x0] =	vst.idx.msk $0xffff, v30;
	(pc) =	sbr.rel @p0 .LBB2_4-.Ltmp1, $4  }
0x80: {  	v21 =	vor.u32 v15, v22;
	[tilespmem:v20+s29+$0x0] =	vst.idx.msk $0xffff, v9  }
0x81: {  	v20 =	vor.u32 v16, v22;
	[tilespmem:v24+s29+$0x0] =	vst.idx.msk $0xffff, v9  }
0x82: {  	[tilespmem:v25+s29+$0x0] =	vst.idx.msk $0xffff, v9  }
0x83: {  	[tilespmem:v26+s29+$0x0] =	vst.idx.msk $0xffff, v9  }
0x84: {  	_ =	sdelay $0x3  }
0x85: {  	[tilespmem:v19+s29+$0x0] =	vst.idx.msk $0xffff, v9  }
0x86: {  	[tilespmem:v18+s29+$0x0] =	vst.idx.msk $0xffff, v9  }
0x87: {  	[tilespmem:v21+s29+$0x0] =	vst.idx.msk $0xffff, v9  }
0x88: {  	s21 =	simm.s32 $0x0;
	s31 =	simm.s32 $0x9000;
	[tilespmem:v20+s29+$0x0] =	vst.idx.msk $0xffff, v9  }
0x89: {  	[hbm4b:s12+s21] =	stream.linear.scatter [tilespmem:s31], [sflag:$0x9], $0x2000, $0x38;
	[tilespmem:$0x18000] =	vst v63  }
0x8a: {  	_ =	swait.ge [sflag:s0], $0x1000  }
0x8b: {  	[sflag:s0] =	ssyncset.done $0x0  }
0x8c: {  	s21 =	simm.s32 $0x0;
	[sflag:s0] =	ssyncadd.s32 $0xFFFFF000  }
0x8d: {  	v17 =	vimm.s32 $0x60;
	v18 =	vld [tilespmem:s21+$0x1850]  }
0x8e: {  	v20 =	vshll.u32 v17, $0x7;
	v19 =	vld [tilespmem:s21+$0x1820]  }
0x8f: {  	v22 =	vor.u32 v1, v20;
	v23 =	vld [tilespmem:s21+$0x1800]  }
0x90: {  	v24 =	vor.u32 v2, v20;
	v21 =	vld [tilespmem:s21+$0x1810]  }
0x91: {  	v26 =	vor.u32 v3, v20;
	v25 =	vld [tilespmem:s21+$0x1830]  }
0x92: {  	v28 =	vor.u32 v4, v20;
	v27 =	vld [tilespmem:s21+$0x1840]  }
0x93: {  	v30 =	vor.u32 v5, v20;
	v29 =	vld [tilespmem:s21+$0x1870]  }
0x94: {  	v32 =	vor.u32 v6, v20;
	v31 =	vld [tilespmem:s21+$0x1860];
	[tilespmem:v22+s29+$0x0] =	vst.idx.msk $0xffff, v23  }
0x95: {  	v22 =	vor.u32 v7, v20;
	[tilespmem:v24+s29+$0x0] =	vst.idx.msk $0xffff, v21  }
0x96: {  	v21 =	vor.u32 v8, v20;
	[tilespmem:v26+s29+$0x0] =	vst.idx.msk $0xffff, v19  }
0x97: {  	v19 =	vor.u32 v0, v20;
	[tilespmem:v28+s29+$0x0] =	vst.idx.msk $0xffff, v25  }
0x98: {  	[tilespmem:v30+s29+$0x0] =	vst.idx.msk $0xffff, v27  }
0x99: {  	v23 =	vor.u32 v10, v20;
	[tilespmem:v32+s29+$0x0] =	vst.idx.msk $0xffff, v18  }
0x9a: {  	v62 =	vor.u32 v11, v20;
	[tilespmem:v22+s29+$0x0] =	vst.idx.msk $0xffff, v31  }
0x9b: {  	v63 =	vor.u32 v12, v20;
	[tilespmem:v21+s29+$0x0] =	vst.idx.msk $0xffff, v29  }
0x9c: {  	[tilespmem:v19+s29+$0x0] =	vst.idx.msk $0xffff, v9;
	v19 =	vor.u32 v13, v20  }
0x9d: {  	v18 =	vor.u32 v14, v20  }
0x9e: {  	v21 =	vor.u32 v15, v20;
	[tilespmem:v23+s29+$0x0] =	vst.idx.msk $0xffff, v9  }
0x9f: {  	v20 =	vor.u32 v16, v20;
	[tilespmem:v62+s29+$0x0] =	vst.idx.msk $0xffff, v9  }
0xa0: {  	s31 =	simm.s32 $0x200;
	[tilespmem:v63+s29+$0x0] =	vst.idx.msk $0xffff, v9  }
.LBB2_6:
0xa1: {  	p0 =	sne.s32 s31, $0x3E00;
	[tilespmem:v19+s29+$0x0] =	vst.idx.msk $0xffff, v9;
	v17 =	vadd.s32 $0x2, v17;
	s21 =	smov.u32 s31;
	s31 =	sadd.s32 $0x200, s31  }
0xa2: {  	[tilespmem:v18+s29+$0x0] =	vst.idx.msk $0xffff, v9  }
0xa3: {  	[tilespmem:v21+s29+$0x0] =	vst.idx.msk $0xffff, v9  }
0xa4: {  	s21 =	sshra.s32 s21, $0x2;
	v22 =	vshll.u32 v17, $0x7;
	[tilespmem:v20+s29+$0x0] =	vst.idx.msk $0xffff, v9  }
0xa5: {  	v19 =	vor.u32 v1, v22;
	v20 =	vor.u32 v3, v22;
	v18 =	vld [tilespmem:s21+$0x1850]  }
0xa6: {  	v23 =	vor.u32 v2, v22;
	v21 =	vld [tilespmem:s21+$0x1820]  }
0xa7: {  	v24 =	vld [tilespmem:s21+$0x1810]  }
0xa8: {  	v26 =	vor.u32 v4, v22;
	v25 =	vld [tilespmem:s21+$0x1800]  }
0xa9: {  	v28 =	vor.u32 v5, v22;
	v27 =	vld [tilespmem:s21+$0x1830]  }
0xaa: {  	v29 =	vld [tilespmem:s21+$0x1840]  }
0xab: {  	v30 =	vld [tilespmem:s21+$0x1870]  }
0xac: {  	v32 =	vor.u32 v6, v22;
	v31 =	vld [tilespmem:s21+$0x1860]  }
0xad: {  	[tilespmem:v19+s29+$0x0] =	vst.idx.msk $0xffff, v25;
	v19 =	vor.u32 v7, v22  }
0xae: {  	[tilespmem:v23+s29+$0x0] =	vst.idx.msk $0xffff, v24;
	v23 =	vor.u32 v8, v22  }
0xaf: {  	[tilespmem:v20+s29+$0x0] =	vst.idx.msk $0xffff, v21;
	v20 =	vor.u32 v0, v22  }
0xb0: {  	v24 =	vor.u32 v10, v22;
	[tilespmem:v26+s29+$0x0] =	vst.idx.msk $0xffff, v27  }
0xb1: {  	v25 =	vor.u32 v11, v22;
	[tilespmem:v28+s29+$0x0] =	vst.idx.msk $0xffff, v29  }
0xb2: {  	v26 =	vor.u32 v12, v22;
	[tilespmem:v32+s29+$0x0] =	vst.idx.msk $0xffff, v18  }
0xb3: {  	[tilespmem:v19+s29+$0x0] =	vst.idx.msk $0xffff, v31;
	v19 =	vor.u32 v13, v22  }
.Ltmp2:
0xb4: {  	v18 =	vor.u32 v14, v22;
	[tilespmem:v23+s29+$0x0] =	vst.idx.msk $0xffff, v30;
	(pc) =	sbr.rel @p0 .LBB2_6-.Ltmp2, $4  }
0xb5: {  	v21 =	vor.u32 v15, v22;
	[tilespmem:v20+s29+$0x0] =	vst.idx.msk $0xffff, v9  }
0xb6: {  	v20 =	vor.u32 v16, v22;
	[tilespmem:v24+s29+$0x0] =	vst.idx.msk $0xffff, v9  }
0xb7: {  	[tilespmem:v25+s29+$0x0] =	vst.idx.msk $0xffff, v9  }
0xb8: {  	[tilespmem:v26+s29+$0x0] =	vst.idx.msk $0xffff, v9  }
0xb9: {  	_ =	sdelay $0x3  }
0xba: {  	[tilespmem:v19+s29+$0x0] =	vst.idx.msk $0xffff, v9  }
0xbb: {  	[tilespmem:v18+s29+$0x0] =	vst.idx.msk $0xffff, v9  }
0xbc: {  	[tilespmem:v21+s29+$0x0] =	vst.idx.msk $0xffff, v9  }
0xbd: {  	s21 =	simm.s32 $0x0;
	s31 =	simm.s32 $0xB000;
	[tilespmem:v20+s29+$0x0] =	vst.idx.msk $0xffff, v9  }
0xbe: {  	[hbm4b:s13+s21] =	stream.linear.scatter [tilespmem:s31], [sflag:$0x9], $0x2000, $0x38;
	[tilespmem:$0x18000] =	vst v63  }
0xbf: {  	_ =	swait.ge [sflag:s20], $0x1800  }
0xc0: {  	[sflag:s20] =	ssyncset.done $0x0  }
0xc1: {  	s21 =	simm.s32 $0x0;
	[sflag:s20] =	ssyncadd.s32 $0xFFFFE800  }
0xc2: {  	v17 =	vimm.s32 $0xA0;
	v18 =	vld [tilespmem:s21+$0x2850]  }
0xc3: {  	v20 =	vshll.u32 v17, $0x7;
	v19 =	vld [tilespmem:s21+$0x2820]  }
0xc4: {  	v22 =	vor.u32 v1, v20;
	v23 =	vld [tilespmem:s21+$0x2800]  }
0xc5: {  	v24 =	vor.u32 v2, v20;
	v21 =	vld [tilespmem:s21+$0x2810]  }
0xc6: {  	v26 =	vor.u32 v3, v20;
	v25 =	vld [tilespmem:s21+$0x2830]  }
0xc7: {  	v28 =	vor.u32 v4, v20;
	v27 =	vld [tilespmem:s21+$0x2840]  }
0xc8: {  	v30 =	vor.u32 v5, v20;
	v29 =	vld [tilespmem:s21+$0x2870]  }
0xc9: {  	v32 =	vor.u32 v6, v20;
	v31 =	vld [tilespmem:s21+$0x2860];
	[tilespmem:v22+s29+$0x0] =	vst.idx.msk $0xffff, v23  }
0xca: {  	v22 =	vor.u32 v7, v20;
	[tilespmem:v24+s29+$0x0] =	vst.idx.msk $0xffff, v21  }
0xcb: {  	v21 =	vor.u32 v8, v20;
	[tilespmem:v26+s29+$0x0] =	vst.idx.msk $0xffff, v19  }
0xcc: {  	v19 =	vor.u32 v0, v20;
	[tilespmem:v28+s29+$0x0] =	vst.idx.msk $0xffff, v25  }
0xcd: {  	[tilespmem:v30+s29+$0x0] =	vst.idx.msk $0xffff, v27  }
0xce: {  	v23 =	vor.u32 v10, v20;
	[tilespmem:v32+s29+$0x0] =	vst.idx.msk $0xffff, v18  }
0xcf: {  	v62 =	vor.u32 v11, v20;
	[tilespmem:v22+s29+$0x0] =	vst.idx.msk $0xffff, v31  }
0xd0: {  	v63 =	vor.u32 v12, v20;
	[tilespmem:v21+s29+$0x0] =	vst.idx.msk $0xffff, v29  }
0xd1: {  	[tilespmem:v19+s29+$0x0] =	vst.idx.msk $0xffff, v9;
	v19 =	vor.u32 v13, v20  }
0xd2: {  	v18 =	vor.u32 v14, v20  }
0xd3: {  	v21 =	vor.u32 v15, v20;
	[tilespmem:v23+s29+$0x0] =	vst.idx.msk $0xffff, v9  }
0xd4: {  	v20 =	vor.u32 v16, v20;
	[tilespmem:v62+s29+$0x0] =	vst.idx.msk $0xffff, v9  }
0xd5: {  	s31 =	simm.s32 $0x200;
	[tilespmem:v63+s29+$0x0] =	vst.idx.msk $0xffff, v9  }
.LBB2_8:
0xd6: {  	p0 =	sne.s32 s31, $0x5E00;
	[tilespmem:v19+s29+$0x0] =	vst.idx.msk $0xffff, v9;
	v17 =	vadd.s32 $0x2, v17;
	s21 =	smov.u32 s31;
	s31 =	sadd.s32 $0x200, s31  }
0xd7: {  	[tilespmem:v18+s29+$0x0] =	vst.idx.msk $0xffff, v9  }
0xd8: {  	[tilespmem:v21+s29+$0x0] =	vst.idx.msk $0xffff, v9  }
0xd9: {  	s21 =	sshra.s32 s21, $0x2;
	v22 =	vshll.u32 v17, $0x7;
	[tilespmem:v20+s29+$0x0] =	vst.idx.msk $0xffff, v9  }
0xda: {  	v19 =	vor.u32 v1, v22;
	v20 =	vor.u32 v3, v22;
	v18 =	vld [tilespmem:s21+$0x2850]  }
0xdb: {  	v23 =	vor.u32 v2, v22;
	v21 =	vld [tilespmem:s21+$0x2820]  }
0xdc: {  	v24 =	vld [tilespmem:s21+$0x2810]  }
0xdd: {  	v26 =	vor.u32 v4, v22;
	v25 =	vld [tilespmem:s21+$0x2800]  }
0xde: {  	v28 =	vor.u32 v5, v22;
	v27 =	vld [tilespmem:s21+$0x2830]  }
0xdf: {  	v29 =	vld [tilespmem:s21+$0x2840]  }
0xe0: {  	v30 =	vld [tilespmem:s21+$0x2870]  }
0xe1: {  	v32 =	vor.u32 v6, v22;
	v31 =	vld [tilespmem:s21+$0x2860]  }
0xe2: {  	[tilespmem:v19+s29+$0x0] =	vst.idx.msk $0xffff, v25;
	v19 =	vor.u32 v7, v22  }
0xe3: {  	[tilespmem:v23+s29+$0x0] =	vst.idx.msk $0xffff, v24;
	v23 =	vor.u32 v8, v22  }
0xe4: {  	[tilespmem:v20+s29+$0x0] =	vst.idx.msk $0xffff, v21;
	v20 =	vor.u32 v0, v22  }
0xe5: {  	v24 =	vor.u32 v10, v22;
	[tilespmem:v26+s29+$0x0] =	vst.idx.msk $0xffff, v27  }
0xe6: {  	v25 =	vor.u32 v11, v22;
	[tilespmem:v28+s29+$0x0] =	vst.idx.msk $0xffff, v29  }
0xe7: {  	v26 =	vor.u32 v12, v22;
	[tilespmem:v32+s29+$0x0] =	vst.idx.msk $0xffff, v18  }
0xe8: {  	[tilespmem:v19+s29+$0x0] =	vst.idx.msk $0xffff, v31;
	v19 =	vor.u32 v13, v22  }
.Ltmp3:
0xe9: {  	v18 =	vor.u32 v14, v22;
	[tilespmem:v23+s29+$0x0] =	vst.idx.msk $0xffff, v30;
	(pc) =	sbr.rel @p0 .LBB2_8-.Ltmp3, $4  }
0xea: {  	v21 =	vor.u32 v15, v22;
	[tilespmem:v20+s29+$0x0] =	vst.idx.msk $0xffff, v9  }
0xeb: {  	v20 =	vor.u32 v16, v22;
	[tilespmem:v24+s29+$0x0] =	vst.idx.msk $0xffff, v9  }
0xec: {  	[tilespmem:v25+s29+$0x0] =	vst.idx.msk $0xffff, v9  }
0xed: {  	[tilespmem:v26+s29+$0x0] =	vst.idx.msk $0xffff, v9  }
0xee: {  	_ =	sdelay $0x3  }
0xef: {  	[tilespmem:v19+s29+$0x0] =	vst.idx.msk $0xffff, v9  }
0xf0: {  	[tilespmem:v18+s29+$0x0] =	vst.idx.msk $0xffff, v9  }
0xf1: {  	[tilespmem:v21+s29+$0x0] =	vst.idx.msk $0xffff, v9  }
0xf2: {  	s21 =	simm.s32 $0x0;
	s31 =	simm.s32 $0xD000;
	[tilespmem:v20+s29+$0x0] =	vst.idx.msk $0xffff, v9  }
0xf3: {  	[hbm4b:s14+s21] =	stream.linear.scatter [tilespmem:s31], [sflag:$0x9], $0x3000, $0x38;
	[tilespmem:$0x18000] =	vst v63  }
0xf4: {  	_ =	swait.ge [sflag:s22], $0x1800  }
0xf5: {  	[sflag:s22] =	ssyncset.done $0x0  }
0xf6: {  	s21 =	simm.s32 $0x0;
	[sflag:s22] =	ssyncadd.s32 $0xFFFFE800  }
0xf7: {  	v17 =	vimm.s32 $0x100;
	v18 =	vld [tilespmem:s21+$0x4050]  }
0xf8: {  	v20 =	vshll.u32 v17, $0x7;
	v19 =	vld [tilespmem:s21+$0x4020]  }
0xf9: {  	v22 =	vor.u32 v1, v20;
	v23 =	vld [tilespmem:s21+$0x4000]  }
0xfa: {  	v24 =	vor.u32 v2, v20;
	v21 =	vld [tilespmem:s21+$0x4010]  }
0xfb: {  	v26 =	vor.u32 v3, v20;
	v25 =	vld [tilespmem:s21+$0x4030]  }
0xfc: {  	v28 =	vor.u32 v4, v20;
	v27 =	vld [tilespmem:s21+$0x4040]  }
0xfd: {  	v30 =	vor.u32 v5, v20;
	v29 =	vld [tilespmem:s21+$0x4070]  }
0xfe: {  	v32 =	vor.u32 v6, v20;
	v31 =	vld [tilespmem:s21+$0x4060];
	[tilespmem:v22+s29+$0x0] =	vst.idx.msk $0xffff, v23  }
0xff: {  	v22 =	vor.u32 v7, v20;
	[tilespmem:v24+s29+$0x0] =	vst.idx.msk $0xffff, v21  }
0x100: {  	v21 =	vor.u32 v8, v20;
	[tilespmem:v26+s29+$0x0] =	vst.idx.msk $0xffff, v19  }
0x101: {  	v19 =	vor.u32 v0, v20;
	[tilespmem:v28+s29+$0x0] =	vst.idx.msk $0xffff, v25  }
0x102: {  	[tilespmem:v30+s29+$0x0] =	vst.idx.msk $0xffff, v27  }
0x103: {  	v23 =	vor.u32 v10, v20;
	[tilespmem:v32+s29+$0x0] =	vst.idx.msk $0xffff, v18  }
0x104: {  	v62 =	vor.u32 v11, v20;
	[tilespmem:v22+s29+$0x0] =	vst.idx.msk $0xffff, v31  }
0x105: {  	v63 =	vor.u32 v12, v20;
	[tilespmem:v21+s29+$0x0] =	vst.idx.msk $0xffff, v29  }
0x106: {  	[tilespmem:v19+s29+$0x0] =	vst.idx.msk $0xffff, v9;
	v19 =	vor.u32 v13, v20  }
0x107: {  	v18 =	vor.u32 v14, v20  }
0x108: {  	v21 =	vor.u32 v15, v20;
	[tilespmem:v23+s29+$0x0] =	vst.idx.msk $0xffff, v9  }
0x109: {  	v20 =	vor.u32 v16, v20;
	[tilespmem:v62+s29+$0x0] =	vst.idx.msk $0xffff, v9  }
0x10a: {  	s31 =	simm.s32 $0x200;
	[tilespmem:v63+s29+$0x0] =	vst.idx.msk $0xffff, v9  }
.LBB2_10:
0x10b: {  	p0 =	sne.s32 s31, $0x5E00;
	[tilespmem:v19+s29+$0x0] =	vst.idx.msk $0xffff, v9;
	v17 =	vadd.s32 $0x2, v17;
	s21 =	smov.u32 s31;
	s31 =	sadd.s32 $0x200, s31  }
0x10c: {  	[tilespmem:v18+s29+$0x0] =	vst.idx.msk $0xffff, v9  }
0x10d: {  	[tilespmem:v21+s29+$0x0] =	vst.idx.msk $0xffff, v9  }
0x10e: {  	s21 =	sshra.s32 s21, $0x2;
	v22 =	vshll.u32 v17, $0x7;
	[tilespmem:v20+s29+$0x0] =	vst.idx.msk $0xffff, v9  }
0x10f: {  	v19 =	vor.u32 v1, v22;
	v20 =	vor.u32 v3, v22;
	v18 =	vld [tilespmem:s21+$0x4050]  }
0x110: {  	v23 =	vor.u32 v2, v22;
	v21 =	vld [tilespmem:s21+$0x4020]  }
0x111: {  	v24 =	vld [tilespmem:s21+$0x4010]  }
0x112: {  	v26 =	vor.u32 v4, v22;
	v25 =	vld [tilespmem:s21+$0x4000]  }
0x113: {  	v28 =	vor.u32 v5, v22;
	v27 =	vld [tilespmem:s21+$0x4030]  }
0x114: {  	v29 =	vld [tilespmem:s21+$0x4040]  }
0x115: {  	v30 =	vld [tilespmem:s21+$0x4070]  }
0x116: {  	v32 =	vor.u32 v6, v22;
	v31 =	vld [tilespmem:s21+$0x4060]  }
0x117: {  	[tilespmem:v19+s29+$0x0] =	vst.idx.msk $0xffff, v25;
	v19 =	vor.u32 v7, v22  }
0x118: {  	[tilespmem:v23+s29+$0x0] =	vst.idx.msk $0xffff, v24;
	v23 =	vor.u32 v8, v22  }
0x119: {  	[tilespmem:v20+s29+$0x0] =	vst.idx.msk $0xffff, v21;
	v20 =	vor.u32 v0, v22  }
0x11a: {  	v24 =	vor.u32 v10, v22;
	[tilespmem:v26+s29+$0x0] =	vst.idx.msk $0xffff, v27  }
0x11b: {  	v25 =	vor.u32 v11, v22;
	[tilespmem:v28+s29+$0x0] =	vst.idx.msk $0xffff, v29  }
0x11c: {  	v26 =	vor.u32 v12, v22;
	[tilespmem:v32+s29+$0x0] =	vst.idx.msk $0xffff, v18  }
0x11d: {  	[tilespmem:v19+s29+$0x0] =	vst.idx.msk $0xffff, v31;
	v19 =	vor.u32 v13, v22  }
.Ltmp4:
0x11e: {  	v18 =	vor.u32 v14, v22;
	[tilespmem:v23+s29+$0x0] =	vst.idx.msk $0xffff, v30;
	(pc) =	sbr.rel @p0 .LBB2_10-.Ltmp4, $4  }
0x11f: {  	v21 =	vor.u32 v15, v22;
	[tilespmem:v20+s29+$0x0] =	vst.idx.msk $0xffff, v9  }
0x120: {  	v20 =	vor.u32 v16, v22;
	[tilespmem:v24+s29+$0x0] =	vst.idx.msk $0xffff, v9  }
0x121: {  	[tilespmem:v25+s29+$0x0] =	vst.idx.msk $0xffff, v9  }
0x122: {  	[tilespmem:v26+s29+$0x0] =	vst.idx.msk $0xffff, v9  }
0x123: {  	_ =	sdelay $0x3  }
0x124: {  	[tilespmem:v19+s29+$0x0] =	vst.idx.msk $0xffff, v9  }
0x125: {  	[tilespmem:v18+s29+$0x0] =	vst.idx.msk $0xffff, v9  }
0x126: {  	[tilespmem:v21+s29+$0x0] =	vst.idx.msk $0xffff, v9  }
0x127: {  	s21 =	simm.s32 $0x0;
	s31 =	simm.s32 $0x10000;
	[tilespmem:v20+s29+$0x0] =	vst.idx.msk $0xffff, v9  }
0x128: {  	[hbm4b:s15+s21] =	stream.linear.scatter [tilespmem:s31], [sflag:$0x9], $0x3000, $0x38;
	[tilespmem:$0x18000] =	vst v63  }
0x129: {  	_ =	swait.ge [sflag:s24], $0x1000  }
0x12a: {  	[sflag:s24] =	ssyncset.done $0x0  }
0x12b: {  	s21 =	simm.s32 $0x0;
	[sflag:s24] =	ssyncadd.s32 $0xFFFFF000  }
0x12c: {  	v17 =	vimm.s32 $0x160;
	v18 =	vld [tilespmem:s21+$0x5850]  }
0x12d: {  	v20 =	vshll.u32 v17, $0x7;
	v19 =	vld [tilespmem:s21+$0x5820]  }
0x12e: {  	v22 =	vor.u32 v1, v20;
	v23 =	vld [tilespmem:s21+$0x5800]  }
0x12f: {  	v24 =	vor.u32 v2, v20;
	v21 =	vld [tilespmem:s21+$0x5810]  }
0x130: {  	v26 =	vor.u32 v3, v20;
	v25 =	vld [tilespmem:s21+$0x5830]  }
0x131: {  	v28 =	vor.u32 v4, v20;
	v27 =	vld [tilespmem:s21+$0x5840]  }
0x132: {  	v30 =	vor.u32 v5, v20;
	v29 =	vld [tilespmem:s21+$0x5870]  }
0x133: {  	v32 =	vor.u32 v6, v20;
	v31 =	vld [tilespmem:s21+$0x5860];
	[tilespmem:v22+s29+$0x0] =	vst.idx.msk $0xffff, v23  }
0x134: {  	v22 =	vor.u32 v7, v20;
	[tilespmem:v24+s29+$0x0] =	vst.idx.msk $0xffff, v21  }
0x135: {  	v21 =	vor.u32 v8, v20;
	[tilespmem:v26+s29+$0x0] =	vst.idx.msk $0xffff, v19  }
0x136: {  	v19 =	vor.u32 v0, v20;
	[tilespmem:v28+s29+$0x0] =	vst.idx.msk $0xffff, v25  }
0x137: {  	[tilespmem:v30+s29+$0x0] =	vst.idx.msk $0xffff, v27  }
0x138: {  	v23 =	vor.u32 v10, v20;
	[tilespmem:v32+s29+$0x0] =	vst.idx.msk $0xffff, v18  }
0x139: {  	v62 =	vor.u32 v11, v20;
	[tilespmem:v22+s29+$0x0] =	vst.idx.msk $0xffff, v31  }
0x13a: {  	v63 =	vor.u32 v12, v20;
	[tilespmem:v21+s29+$0x0] =	vst.idx.msk $0xffff, v29  }
0x13b: {  	[tilespmem:v19+s29+$0x0] =	vst.idx.msk $0xffff, v9;
	v19 =	vor.u32 v13, v20  }
0x13c: {  	v18 =	vor.u32 v14, v20  }
0x13d: {  	v21 =	vor.u32 v15, v20;
	[tilespmem:v23+s29+$0x0] =	vst.idx.msk $0xffff, v9  }
0x13e: {  	v20 =	vor.u32 v16, v20;
	[tilespmem:v62+s29+$0x0] =	vst.idx.msk $0xffff, v9  }
0x13f: {  	s31 =	simm.s32 $0x200;
	[tilespmem:v63+s29+$0x0] =	vst.idx.msk $0xffff, v9  }
.LBB2_12:
0x140: {  	p0 =	sne.s32 s31, $0x3E00;
	[tilespmem:v19+s29+$0x0] =	vst.idx.msk $0xffff, v9;
	v17 =	vadd.s32 $0x2, v17;
	s21 =	smov.u32 s31;
	s31 =	sadd.s32 $0x200, s31  }
0x141: {  	[tilespmem:v18+s29+$0x0] =	vst.idx.msk $0xffff, v9  }
0x142: {  	[tilespmem:v21+s29+$0x0] =	vst.idx.msk $0xffff, v9  }
0x143: {  	s21 =	sshra.s32 s21, $0x2;
	v22 =	vshll.u32 v17, $0x7;
	[tilespmem:v20+s29+$0x0] =	vst.idx.msk $0xffff, v9  }
0x144: {  	v19 =	vor.u32 v1, v22;
	v20 =	vor.u32 v3, v22;
	v18 =	vld [tilespmem:s21+$0x5850]  }
0x145: {  	v23 =	vor.u32 v2, v22;
	v21 =	vld [tilespmem:s21+$0x5820]  }
0x146: {  	v24 =	vld [tilespmem:s21+$0x5810]  }
0x147: {  	v26 =	vor.u32 v4, v22;
	v25 =	vld [tilespmem:s21+$0x5800]  }
0x148: {  	v28 =	vor.u32 v5, v22;
	v27 =	vld [tilespmem:s21+$0x5830]  }
0x149: {  	v29 =	vld [tilespmem:s21+$0x5840]  }
0x14a: {  	v30 =	vld [tilespmem:s21+$0x5870]  }
0x14b: {  	v32 =	vor.u32 v6, v22;
	v31 =	vld [tilespmem:s21+$0x5860]  }
0x14c: {  	[tilespmem:v19+s29+$0x0] =	vst.idx.msk $0xffff, v25;
	v19 =	vor.u32 v7, v22  }
0x14d: {  	[tilespmem:v23+s29+$0x0] =	vst.idx.msk $0xffff, v24;
	v23 =	vor.u32 v8, v22  }
0x14e: {  	[tilespmem:v20+s29+$0x0] =	vst.idx.msk $0xffff, v21;
	v20 =	vor.u32 v0, v22  }
0x14f: {  	v24 =	vor.u32 v10, v22;
	[tilespmem:v26+s29+$0x0] =	vst.idx.msk $0xffff, v27  }
0x150: {  	v25 =	vor.u32 v11, v22;
	[tilespmem:v28+s29+$0x0] =	vst.idx.msk $0xffff, v29  }
0x151: {  	v26 =	vor.u32 v12, v22;
	[tilespmem:v32+s29+$0x0] =	vst.idx.msk $0xffff, v18  }
0x152: {  	[tilespmem:v19+s29+$0x0] =	vst.idx.msk $0xffff, v31;
	v19 =	vor.u32 v13, v22  }
.Ltmp5:
0x153: {  	v18 =	vor.u32 v14, v22;
	[tilespmem:v23+s29+$0x0] =	vst.idx.msk $0xffff, v30;
	(pc) =	sbr.rel @p0 .LBB2_12-.Ltmp5, $4  }
0x154: {  	v21 =	vor.u32 v15, v22;
	[tilespmem:v20+s29+$0x0] =	vst.idx.msk $0xffff, v9  }
0x155: {  	v20 =	vor.u32 v16, v22;
	[tilespmem:v24+s29+$0x0] =	vst.idx.msk $0xffff, v9  }
0x156: {  	[tilespmem:v25+s29+$0x0] =	vst.idx.msk $0xffff, v9  }
0x157: {  	[tilespmem:v26+s29+$0x0] =	vst.idx.msk $0xffff, v9  }
0x158: {  	_ =	sdelay $0x3  }
0x159: {  	[tilespmem:v19+s29+$0x0] =	vst.idx.msk $0xffff, v9  }
0x15a: {  	[tilespmem:v18+s29+$0x0] =	vst.idx.msk $0xffff, v9  }
0x15b: {  	[tilespmem:v21+s29+$0x0] =	vst.idx.msk $0xffff, v9  }
0x15c: {  	s21 =	simm.s32 $0x0;
	s31 =	simm.s32 $0x13000;
	[tilespmem:v20+s29+$0x0] =	vst.idx.msk $0xffff, v9  }
0x15d: {  	[hbm4b:s16+s21] =	stream.linear.scatter [tilespmem:s31], [sflag:$0x9], $0x2000, $0x38;
	[tilespmem:$0x18000] =	vst v63  }
0x15e: {  	_ =	swait.ge [sflag:s26], $0x1000  }
0x15f: {  	[sflag:s26] =	ssyncset.done $0x0  }
0x160: {  	s21 =	simm.s32 $0x0;
	[sflag:s26] =	ssyncadd.s32 $0xFFFFF000  }
0x161: {  	v17 =	vimm.s32 $0x1A0;
	v18 =	vld [tilespmem:s21+$0x6850]  }
0x162: {  	v20 =	vshll.u32 v17, $0x7;
	v19 =	vld [tilespmem:s21+$0x6820]  }
0x163: {  	v22 =	vor.u32 v1, v20;
	v23 =	vld [tilespmem:s21+$0x6800]  }
0x164: {  	v24 =	vor.u32 v2, v20;
	v21 =	vld [tilespmem:s21+$0x6810]  }
0x165: {  	v26 =	vor.u32 v3, v20;
	v25 =	vld [tilespmem:s21+$0x6830]  }
0x166: {  	v28 =	vor.u32 v4, v20;
	v27 =	vld [tilespmem:s21+$0x6840]  }
0x167: {  	v30 =	vor.u32 v5, v20;
	v29 =	vld [tilespmem:s21+$0x6870]  }
0x168: {  	v32 =	vor.u32 v6, v20;
	v31 =	vld [tilespmem:s21+$0x6860];
	[tilespmem:v22+s29+$0x0] =	vst.idx.msk $0xffff, v23  }
0x169: {  	v22 =	vor.u32 v7, v20;
	[tilespmem:v24+s29+$0x0] =	vst.idx.msk $0xffff, v21  }
0x16a: {  	v21 =	vor.u32 v8, v20;
	[tilespmem:v26+s29+$0x0] =	vst.idx.msk $0xffff, v19  }
0x16b: {  	v19 =	vor.u32 v0, v20;
	[tilespmem:v28+s29+$0x0] =	vst.idx.msk $0xffff, v25  }
0x16c: {  	[tilespmem:v30+s29+$0x0] =	vst.idx.msk $0xffff, v27  }
0x16d: {  	v23 =	vor.u32 v10, v20;
	[tilespmem:v32+s29+$0x0] =	vst.idx.msk $0xffff, v18  }
0x16e: {  	v62 =	vor.u32 v11, v20;
	[tilespmem:v22+s29+$0x0] =	vst.idx.msk $0xffff, v31  }
0x16f: {  	v63 =	vor.u32 v12, v20;
	[tilespmem:v21+s29+$0x0] =	vst.idx.msk $0xffff, v29  }
0x170: {  	[tilespmem:v19+s29+$0x0] =	vst.idx.msk $0xffff, v9;
	v19 =	vor.u32 v13, v20  }
0x171: {  	v18 =	vor.u32 v14, v20  }
0x172: {  	v21 =	vor.u32 v15, v20;
	[tilespmem:v23+s29+$0x0] =	vst.idx.msk $0xffff, v9  }
0x173: {  	v20 =	vor.u32 v16, v20;
	[tilespmem:v62+s29+$0x0] =	vst.idx.msk $0xffff, v9  }
0x174: {  	s31 =	simm.s32 $0x200;
	[tilespmem:v63+s29+$0x0] =	vst.idx.msk $0xffff, v9  }
.LBB2_14:
0x175: {  	p0 =	sne.s32 s31, $0x3E00;
	[tilespmem:v19+s29+$0x0] =	vst.idx.msk $0xffff, v9;
	v17 =	vadd.s32 $0x2, v17;
	s21 =	smov.u32 s31;
	s31 =	sadd.s32 $0x200, s31  }
0x176: {  	[tilespmem:v18+s29+$0x0] =	vst.idx.msk $0xffff, v9  }
0x177: {  	[tilespmem:v21+s29+$0x0] =	vst.idx.msk $0xffff, v9  }
0x178: {  	s21 =	sshra.s32 s21, $0x2;
	v22 =	vshll.u32 v17, $0x7;
	[tilespmem:v20+s29+$0x0] =	vst.idx.msk $0xffff, v9  }
0x179: {  	v19 =	vor.u32 v1, v22;
	v20 =	vor.u32 v3, v22;
	v18 =	vld [tilespmem:s21+$0x6850]  }
0x17a: {  	v23 =	vor.u32 v2, v22;
	v21 =	vld [tilespmem:s21+$0x6820]  }
0x17b: {  	v24 =	vld [tilespmem:s21+$0x6810]  }
0x17c: {  	v26 =	vor.u32 v4, v22;
	v25 =	vld [tilespmem:s21+$0x6800]  }
0x17d: {  	v28 =	vor.u32 v5, v22;
	v27 =	vld [tilespmem:s21+$0x6830]  }
0x17e: {  	v29 =	vld [tilespmem:s21+$0x6840]  }
0x17f: {  	v30 =	vld [tilespmem:s21+$0x6870]  }
0x180: {  	v32 =	vor.u32 v6, v22;
	v31 =	vld [tilespmem:s21+$0x6860]  }
0x181: {  	[tilespmem:v19+s29+$0x0] =	vst.idx.msk $0xffff, v25;
	v19 =	vor.u32 v7, v22  }
0x182: {  	[tilespmem:v23+s29+$0x0] =	vst.idx.msk $0xffff, v24;
	v23 =	vor.u32 v8, v22  }
0x183: {  	[tilespmem:v20+s29+$0x0] =	vst.idx.msk $0xffff, v21;
	v20 =	vor.u32 v0, v22  }
0x184: {  	v24 =	vor.u32 v10, v22;
	[tilespmem:v26+s29+$0x0] =	vst.idx.msk $0xffff, v27  }
0x185: {  	v25 =	vor.u32 v11, v22;
	[tilespmem:v28+s29+$0x0] =	vst.idx.msk $0xffff, v29  }
0x186: {  	v26 =	vor.u32 v12, v22;
	[tilespmem:v32+s29+$0x0] =	vst.idx.msk $0xffff, v18  }
0x187: {  	[tilespmem:v19+s29+$0x0] =	vst.idx.msk $0xffff, v31;
	v19 =	vor.u32 v13, v22  }
.Ltmp6:
0x188: {  	v18 =	vor.u32 v14, v22;
	[tilespmem:v23+s29+$0x0] =	vst.idx.msk $0xffff, v30;
	(pc) =	sbr.rel @p0 .LBB2_14-.Ltmp6, $4  }
0x189: {  	v21 =	vor.u32 v15, v22;
	[tilespmem:v20+s29+$0x0] =	vst.idx.msk $0xffff, v9  }
0x18a: {  	v20 =	vor.u32 v16, v22;
	[tilespmem:v24+s29+$0x0] =	vst.idx.msk $0xffff, v9  }
0x18b: {  	[tilespmem:v25+s29+$0x0] =	vst.idx.msk $0xffff, v9  }
0x18c: {  	[tilespmem:v26+s29+$0x0] =	vst.idx.msk $0xffff, v9  }
0x18d: {  	_ =	sdelay $0x3  }
0x18e: {  	[tilespmem:v19+s29+$0x0] =	vst.idx.msk $0xffff, v9  }
0x18f: {  	[tilespmem:v18+s29+$0x0] =	vst.idx.msk $0xffff, v9  }
0x190: {  	[tilespmem:v21+s29+$0x0] =	vst.idx.msk $0xffff, v9  }
0x191: {  	s21 =	simm.s32 $0x0;
	s31 =	simm.s32 $0x15000;
	[tilespmem:v20+s29+$0x0] =	vst.idx.msk $0xffff, v9  }
0x192: {  	[hbm4b:s17+s21] =	stream.linear.scatter [tilespmem:s31], [sflag:$0x9], $0x2000, $0x38;
	[tilespmem:$0x18000] =	vst v63  }
0x193: {  	_ =	swait.ge [sflag:s1], $0x800  }
0x194: {  	[sflag:s1] =	ssyncset.done $0x0  }
0x195: {  	s21 =	simm.s32 $0x0;
	[sflag:s1] =	ssyncadd.s32 $0xFFFFF800  }
0x196: {  	v17 =	vimm.s32 $0x1E0;
	v18 =	vld [tilespmem:s21+$0x7850]  }
0x197: {  	v20 =	vshll.u32 v17, $0x7;
	v19 =	vld [tilespmem:s21+$0x7820]  }
0x198: {  	v22 =	vor.u32 v1, v20;
	v23 =	vld [tilespmem:s21+$0x7800]  }
0x199: {  	v24 =	vor.u32 v2, v20;
	v21 =	vld [tilespmem:s21+$0x7810]  }
0x19a: {  	v26 =	vor.u32 v3, v20;
	v25 =	vld [tilespmem:s21+$0x7830]  }
0x19b: {  	v28 =	vor.u32 v4, v20;
	v27 =	vld [tilespmem:s21+$0x7840]  }
0x19c: {  	v30 =	vor.u32 v5, v20;
	v29 =	vld [tilespmem:s21+$0x7870]  }
0x19d: {  	v32 =	vor.u32 v6, v20;
	v31 =	vld [tilespmem:s21+$0x7860];
	[tilespmem:v22+s29+$0x0] =	vst.idx.msk $0xffff, v23  }
0x19e: {  	v22 =	vor.u32 v7, v20;
	[tilespmem:v24+s29+$0x0] =	vst.idx.msk $0xffff, v21  }
0x19f: {  	v21 =	vor.u32 v8, v20;
	[tilespmem:v26+s29+$0x0] =	vst.idx.msk $0xffff, v19  }
0x1a0: {  	v19 =	vor.u32 v0, v20;
	[tilespmem:v28+s29+$0x0] =	vst.idx.msk $0xffff, v25  }
0x1a1: {  	[tilespmem:v30+s29+$0x0] =	vst.idx.msk $0xffff, v27  }
0x1a2: {  	v23 =	vor.u32 v10, v20;
	[tilespmem:v32+s29+$0x0] =	vst.idx.msk $0xffff, v18  }
0x1a3: {  	v62 =	vor.u32 v11, v20;
	[tilespmem:v22+s29+$0x0] =	vst.idx.msk $0xffff, v31  }
0x1a4: {  	v63 =	vor.u32 v12, v20;
	[tilespmem:v21+s29+$0x0] =	vst.idx.msk $0xffff, v29  }
0x1a5: {  	[tilespmem:v19+s29+$0x0] =	vst.idx.msk $0xffff, v9;
	v19 =	vor.u32 v13, v20  }
0x1a6: {  	v18 =	vor.u32 v14, v20  }
0x1a7: {  	v21 =	vor.u32 v15, v20;
	[tilespmem:v23+s29+$0x0] =	vst.idx.msk $0xffff, v9  }
0x1a8: {  	v20 =	vor.u32 v16, v20;
	[tilespmem:v62+s29+$0x0] =	vst.idx.msk $0xffff, v9  }
0x1a9: {  	s31 =	simm.s32 $0x200;
	[tilespmem:v63+s29+$0x0] =	vst.idx.msk $0xffff, v9  }
.LBB2_16:
0x1aa: {  	p0 =	sne.s32 s31, $0x1E00;
	[tilespmem:v19+s29+$0x0] =	vst.idx.msk $0xffff, v9;
	v17 =	vadd.s32 $0x2, v17;
	s21 =	smov.u32 s31;
	s31 =	sadd.s32 $0x200, s31  }
0x1ab: {  	[tilespmem:v18+s29+$0x0] =	vst.idx.msk $0xffff, v9  }
0x1ac: {  	[tilespmem:v21+s29+$0x0] =	vst.idx.msk $0xffff, v9  }
0x1ad: {  	s21 =	sshra.s32 s21, $0x2;
	v22 =	vshll.u32 v17, $0x7;
	[tilespmem:v20+s29+$0x0] =	vst.idx.msk $0xffff, v9  }
0x1ae: {  	v19 =	vor.u32 v1, v22;
	v20 =	vor.u32 v3, v22;
	v18 =	vld [tilespmem:s21+$0x7850]  }
0x1af: {  	v23 =	vor.u32 v2, v22;
	v21 =	vld [tilespmem:s21+$0x7820]  }
0x1b0: {  	v24 =	vld [tilespmem:s21+$0x7810]  }
0x1b1: {  	v26 =	vor.u32 v4, v22;
	v25 =	vld [tilespmem:s21+$0x7800]  }
0x1b2: {  	v28 =	vor.u32 v5, v22;
	v27 =	vld [tilespmem:s21+$0x7830]  }
0x1b3: {  	v29 =	vld [tilespmem:s21+$0x7840]  }
0x1b4: {  	v30 =	vld [tilespmem:s21+$0x7870]  }
0x1b5: {  	v32 =	vor.u32 v6, v22;
	v31 =	vld [tilespmem:s21+$0x7860]  }
0x1b6: {  	[tilespmem:v19+s29+$0x0] =	vst.idx.msk $0xffff, v25;
	v19 =	vor.u32 v7, v22  }
0x1b7: {  	[tilespmem:v23+s29+$0x0] =	vst.idx.msk $0xffff, v24;
	v23 =	vor.u32 v8, v22  }
0x1b8: {  	[tilespmem:v20+s29+$0x0] =	vst.idx.msk $0xffff, v21;
	v20 =	vor.u32 v0, v22  }
0x1b9: {  	v24 =	vor.u32 v10, v22;
	[tilespmem:v26+s29+$0x0] =	vst.idx.msk $0xffff, v27  }
0x1ba: {  	v25 =	vor.u32 v11, v22;
	[tilespmem:v28+s29+$0x0] =	vst.idx.msk $0xffff, v29  }
0x1bb: {  	v26 =	vor.u32 v12, v22;
	[tilespmem:v32+s29+$0x0] =	vst.idx.msk $0xffff, v18  }
0x1bc: {  	[tilespmem:v19+s29+$0x0] =	vst.idx.msk $0xffff, v31;
	v19 =	vor.u32 v13, v22  }
.Ltmp7:
0x1bd: {  	v18 =	vor.u32 v14, v22;
	[tilespmem:v23+s29+$0x0] =	vst.idx.msk $0xffff, v30;
	(pc) =	sbr.rel @p0 .LBB2_16-.Ltmp7, $4  }
0x1be: {  	v21 =	vor.u32 v15, v22;
	[tilespmem:v20+s29+$0x0] =	vst.idx.msk $0xffff, v9  }
0x1bf: {  	v20 =	vor.u32 v16, v22;
	[tilespmem:v24+s29+$0x0] =	vst.idx.msk $0xffff, v9  }
0x1c0: {  	[tilespmem:v25+s29+$0x0] =	vst.idx.msk $0xffff, v9  }
0x1c1: {  	[tilespmem:v26+s29+$0x0] =	vst.idx.msk $0xffff, v9  }
0x1c2: {  	_ =	sdelay $0x3  }
0x1c3: {  	[tilespmem:v19+s29+$0x0] =	vst.idx.msk $0xffff, v9  }
0x1c4: {  	[tilespmem:v18+s29+$0x0] =	vst.idx.msk $0xffff, v9  }
0x1c5: {  	[tilespmem:v21+s29+$0x0] =	vst.idx.msk $0xffff, v9  }
0x1c6: {  	s21 =	simm.s32 $0x17000;
	[tilespmem:v20+s29+$0x0] =	vst.idx.msk $0xffff, v9  }
0x1c7: {  	[hbm4b:s18+s2] =	stream.linear.scatter [tilespmem:s21], [sflag:$0x9], $0x1000, $0x38;
	[tilespmem:$0x18000] =	vst v63  }
0x1c8: {  	_ =	swait.ge [sflag:s23], $0x1000  }
0x1c9: {  	[sflag:s23] =	ssyncset.done $0x0  }
0x1ca: {  	[sflag:s23] =	ssyncadd.s32 $0xFFFFF000  }
0x1cb: {  	_ =	swait.ge [sflag:s23], $0x2000  }
0x1cc: {  	[sflag:s23] =	ssyncset.done $0x0  }
0x1cd: {  	[sflag:s23] =	ssyncadd.s32 $0xFFFFE000  }
0x1ce: {  	_ =	swait.ge [sflag:s23], $0x2000  }
0x1cf: {  	[sflag:s23] =	ssyncset.done $0x0  }
0x1d0: {  	[sflag:s23] =	ssyncadd.s32 $0xFFFFE000  }
0x1d1: {  	_ =	swait.ge [sflag:s23], $0x3000  }
0x1d2: {  	[sflag:s23] =	ssyncset.done $0x0  }
0x1d3: {  	[sflag:s23] =	ssyncadd.s32 $0xFFFFD000  }
0x1d4: {  	_ =	swait.ge [sflag:s23], $0x3000  }
0x1d5: {  	[sflag:s23] =	ssyncset.done $0x0  }
0x1d6: {  	[sflag:s23] =	ssyncadd.s32 $0xFFFFD000  }
0x1d7: {  	_ =	swait.ge [sflag:s23], $0x2000  }
0x1d8: {  	[sflag:s23] =	ssyncset.done $0x0  }
0x1d9: {  	s25 =	sadd.s32 $0x1, s25;
	[sflag:s23] =	ssyncadd.s32 $0xFFFFE000  }
0x1da: {  	p0 =	sne.s32 s25, s19;
	_ =	swait.ge [sflag:s23], $0x2000  }
.Ltmp8:
0x1db: {  	[sflag:s23] =	ssyncset.done $0x0;
	(pc) =	sbr.rel @p0 .LBB2_1-.Ltmp8, $4  }
0x1dc: {  	[sflag:s23] =	ssyncadd.s32 $0xFFFFE000  }
0x1dd: {  	_ =	swait.ge [sflag:s23], $0x1000  }
0x1de: {  	[sflag:s23] =	ssyncset.done $0x0  }
0x1df: {  	[sflag:s23] =	ssyncadd.s32 $0xFFFFF000  }
0x1e0: {  	_ =	sfence.sel $0x180000  }
0x1e1: {  	[bflag:$0x0] =	sbarrier.arrive $0xFFFF  }
0x1e2: {  	_ =	strace $0x90000047  }
0x1e3: {  	s0 =	stileid.u32;
	[bflag:$0x2] =	sbarrier.arrive $0xFFFF  }
0x1e4: {  	p0 =	sne.s32 s0, $0x0;
	s0 =	rddreg [dreg:$0x2]  }
0x1e5: {  	s0 =	sadd.s32 @!p0 $0x100000, s0  }
0x1e6: {  	[sflag:s0] =	ssyncadd.tile.s32 @!p0 $0x1;
	_ =	shalt  }
.Lfunc_end2:
_tile_overlayer_lowered:
.L_overlay_start_2:
0x1e7: {  	(tag) =	ssettag $0x2  }
0x1e8: {  	s0 =	rddreg [dreg:$0x0];
	s2 =	stileid.u32  }
0x1e9: {  	s1 =	rddreg [dreg:$0x1];
	p0 =	sne.s32 s2, $0x0  }
0x1ea: {  	s3 =	rddreg [dreg:$0x2];
	[bflag:$0x3] =	sbarrier.arrive $0xFFFF;
	s2 =	simm.s32 @!p0 $0x1C0A  }
0x1eb: {  	[timem:s3], [sflag:s2] =	dma.local @!p0 [hbm:s0], s1  }
0x1ec: {  	s0 =	simm.s32 @!p0 $0xA  }
0x1ed: {  	_ =	swait.ge @!p0 [sflag:s0], s1  }
0x1ee: {  	s1 =	ssub.s32 @!p0 $0x0, s1;
	[sflag:s0] =	ssyncset.done @!p0 $0x0  }
0x1ef: {  	[sflag:s0] =	ssyncadd.s32 @!p0 s1  }
0x1f0: {  	[bflag:$0x3] =	sbarrier.arrive $0xFFFF  }
0x1f1: {  	_ =	shalt  }

</sc_bundles>
